<compile_context>
chip_gen: v7x
topology: tpu7x:2x2x1
jax: 0.10.2.dev20260603
libtpu: 0.0.44.dev20260713+nightly
codegen_flags: <defaults>
</compile_context>

<pallas_src>
import functools

import numpy as np
import jax
import jax.numpy as jnp
from jax import lax
from jax.experimental import pallas as pl
from jax.experimental.pallas import tpu as pltpu
from jax.experimental.pallas import tpu_sc as plsc

NUM_EMB = 1000000
EMB_DIM = 64
NUM_LEAVES = 16384
NUM_PAIRS = NUM_LEAVES // 2
NUM_CAT = 5

_NC = 2
_NS = 16
_NW = _NC * _NS
_B_PER_W = NUM_LEAVES // _NW

_ang = 2.0 * np.pi * np.outer(np.arange(EMB_DIM), np.arange(EMB_DIM)) / EMB_DIM
_C_MAT = np.cos(_ang).astype(np.float32)
_S_MAT = np.sin(_ang).astype(np.float32)


@functools.cache
def _make_sc_gather():
    @functools.partial(
        pl.kernel,
        out_type=jax.ShapeDtypeStruct((NUM_LEAVES, EMB_DIM), jnp.float32),
        mesh=plsc.VectorSubcoreMesh(
            core_axis_name="c", subcore_axis_name="s",
            num_cores=_NC, num_subcores=_NS),
        scratch_types=[
            pltpu.VMEM((_B_PER_W,), jnp.int32),
            pltpu.VMEM((_B_PER_W, EMB_DIM), jnp.float32),
            pltpu.SemaphoreType.DMA,
        ],
        compiler_params=pltpu.CompilerParams(use_tc_tiling_on_sc=True,
                                             needs_layout_passes=False),
    )
    def _sc_gather(idx_hbm, table_hbm, out_hbm, idx_v, rows_v, sem):
        wid = lax.axis_index("s") * _NC + lax.axis_index("c")
        base = wid * _B_PER_W
        pltpu.sync_copy(idx_hbm.at[pl.ds(base, _B_PER_W)], idx_v)
        lanes = lax.iota(jnp.int32, 16)

        def fire(g, carry):
            v = idx_v[pl.ds(g * 16, 16)]
            for l in range(16):
                i = jnp.max(jnp.where(lanes == l, v, 0), axis=0)
                pltpu.async_copy(
                    table_hbm.at[pl.ds(i, 1)],
                    rows_v.at[pl.ds(g * 16 + l, 1)],
                    sem)
            return carry

        lax.fori_loop(0, _B_PER_W // 16, fire, 0)
        pltpu.make_async_copy(
            out_hbm.at[pl.ds(base, _B_PER_W)], rows_v, sem).wait()
        pltpu.sync_copy(rows_v, out_hbm.at[pl.ds(base, _B_PER_W)])

    return _sc_gather


_BM = 1024


def _tc_body(v_ref, c_ref, s_ref, w_ref, b_ref, leaf_ref, parent_ref):
    v = v_ref[...]
    nrm = jnp.sqrt(jnp.sum(v * v, axis=1, keepdims=True)) + 1e-12
    v = v / nrm
    q = pltpu.roll(v, _BM - 1, 0)
    cm = c_ref[...]
    sm = s_ref[...]

    def dot(a, b):
        return lax.dot_general(a, b, (((1,), (0,)), ((), ())),
                               preferred_element_type=jnp.float32)

    pc = dot(v, cm)
    ps = dot(v, sm)
    qc = dot(q, cm)
    qs = dot(q, sm)
    zr = pc * qc + ps * qs
    zi = ps * qc - pc * qs
    parent = (dot(zr, cm) - dot(zi, sm)) * (1.0 / EMB_DIM)

    w = w_ref[...]
    bb = b_ref[...]

    def clf(x):
        logits = lax.dot_general(x, w, (((1,), (1,)), ((), ())),
                                 preferred_element_type=jnp.float32) + bb
        m = jnp.max(logits, axis=1, keepdims=True)
        e = jnp.exp(logits - m)
        return e / jnp.sum(e, axis=1, keepdims=True)

    leaf_ref[...] = clf(v)

    rows = lax.broadcasted_iota(jnp.int32, (_BM // 2, _BM), 0)
    cols = lax.broadcasted_iota(jnp.int32, (_BM // 2, _BM), 1)
    sel = (cols == 2 * rows).astype(jnp.float32)
    parent_sel = lax.dot_general(
        sel, parent, (((1,), (0,)), ((), ())),
        preferred_element_type=jnp.float32)
    parent_ref[...] = clf(parent_sel)


def _tc_dense(gathered, w, b2d):
    grid = NUM_LEAVES // _BM
    v_spec = pl.BlockSpec((_BM, EMB_DIM), lambda i: (i, 0))
    mat_spec = pl.BlockSpec((EMB_DIM, EMB_DIM), lambda i: (0, 0))
    w_spec = pl.BlockSpec((NUM_CAT, EMB_DIM), lambda i: (0, 0))
    b_spec = pl.BlockSpec((1, NUM_CAT), lambda i: (0, 0))
    leaf_spec = pl.BlockSpec((_BM, NUM_CAT), lambda i: (i, 0))
    parent_spec = pl.BlockSpec((_BM // 2, NUM_CAT), lambda i: (i, 0))
    return pl.pallas_call(
        _tc_body,
        grid=(grid,),
        in_specs=[v_spec, mat_spec, mat_spec, w_spec, b_spec],
        out_specs=[leaf_spec, parent_spec],
        out_shape=[
            jax.ShapeDtypeStruct((NUM_LEAVES, NUM_CAT), jnp.float32),
            jax.ShapeDtypeStruct((NUM_PAIRS, NUM_CAT), jnp.float32),
        ],
    )(gathered, _C_MAT, _S_MAT, w, b2d)


def kernel(indices, emb_table, W, b):
    gathered = _make_sc_gather()(indices, emb_table)
    leaf_p, parent_p = _tc_dense(gathered, W, b.reshape(1, NUM_CAT))
    return jnp.concatenate([leaf_p, parent_p], axis=0)

# --- scband reference (transcript-rebuilt; emitter-appended) ---
"""Pipeline reference for scband-tree-net-15960098472813 (READ-ONLY COPY).

The authoritative reference and input builder live on the scoring server;
editing this copy changes nothing except your own understanding.
"""

import jax, jax.numpy as jnp
import numpy as np

NUM_EMB = 1000000
EMB_DIM = 64
NUM_LEAVES = 16384
NUM_CAT = 5


def setup_inputs(seed: int = 0) -> dict:
    key = jax.random.key(seed)
    k1, k2, k3 = jax.random.split(key, 3)
    indices = jax.random.randint(k1, (NUM_LEAVES,), 0, NUM_EMB, dtype=jnp.int64 if jax.config.jax_enable_x64 else jnp.int32).astype(jnp.int32)
    emb_table = jax.random.normal(k2, (NUM_EMB, EMB_DIM), dtype=jnp.float32) * 0.02
    W = jax.random.normal(k3, (NUM_CAT, EMB_DIM), dtype=jnp.float32) * 0.02
    b = jnp.zeros((NUM_CAT,), dtype=jnp.float32)
    return {"indices": indices, "emb_table": emb_table, "W": W, "b": b}


def reference(indices, emb_table, W, b):
    # Leaf phase: embedding lookup per leaf node (nn.Embedding gather),
    # with per-vector L2 normalization (tree.regularized branch).
    vec = jnp.take(emb_table, indices, axis=0)
    vec = vec / (jnp.linalg.norm(vec, axis=-1, keepdims=True) + 1e-12)
    # tree.climb(): compose adjacent leaf pairs into parent vectors via
    # circular correlation (matches the fft/ifft/conj/mul imports of the
    # original module, one composition level).
    f = jnp.fft.fft(vec.astype(jnp.complex64), axis=-1)
    parent = jnp.fft.ifft(jnp.conj(f[0::2]) * f[1::2], axis=-1).real.astype(jnp.float32)
    # tree.make_node_vector_tensor(): stack all node vectors (leaves + internal).
    nodes = jnp.concatenate([vec, parent], axis=0)
    # Linear classifier + softmax over categories (dim=1).
    logits = nodes @ W.T + b
    return jax.nn.softmax(logits, axis=1)

if __name__ == "__main__":
    import jax
    _d = setup_inputs()
    print(jax.jit(kernel)(*tuple(_d.values())))

</pallas_src>

<mosaic_0001>
#map = affine_map<(d0, d1) -> (0)>
#map1 = affine_map<(d0, d1) -> (0, 0)>
module attributes {stable_mosaic.version = 14 : i64} {
  func.func @_sc_gather(%arg0: i32, %arg1: i32, %arg2: memref<16384xi32, #tpu.memory_space<hbm>>, %arg3: memref<1000000x64xf32, #tpu.memory_space<hbm>>, %arg4: memref<16384x64xf32, #tpu.memory_space<hbm>>, %arg5: memref<512xi32, #tpu.memory_space<vmem>>, %arg6: memref<512x64xf32, #tpu.memory_space<vmem>>, %arg7: memref<!tpu.dma_semaphore, #tpu.memory_space<semaphore_mem>>) attributes {dimension_semantics = [#tpu.dimension_semantics<core_parallel>, #tpu.dimension_semantics<subcore_parallel>], iteration_bounds = array<i64: 2, 16>, scalar_prefetch = 0 : i64, scratch_operands = 3 : i64, tpu.core_type = #tpu.core_type<sc_vector_subcore>, window_params = [{transform_indices = #map}, {transform_indices = #map1}, {transform_indices = #map1}]} {
    %mul3A = arith.constant 2 : i32
    %mul3A_0 = arith.muli %arg1, %mul3A : i32
    %add3A = arith.addi %mul3A_0, %arg0 : i32
    %mul3A_1 = arith.constant 512 : i32
    %mul3A_2 = arith.muli %add3A, %mul3A_1 : i32
    "tpu.region"() ({
      %run_scoped3A = tpu.sem_alloc : memref<!tpu.dma_semaphore, #tpu.memory_space<semaphore_mem>>
      %dma_start3A = tpu.memref_slice %arg2[%mul3A_2] : memref<16384xi32, #tpu.memory_space<hbm>> -> memref<512xi32, #tpu.memory_space<hbm>>
      %dma_start3A_11 = tpu.memref_slice %arg2[%mul3A_2] : memref<16384xi32, #tpu.memory_space<hbm>> -> memref<512xi32, #tpu.memory_space<hbm>>
      tpu.enqueue_dma source(%dma_start3A_11 : memref<512xi32, #tpu.memory_space<hbm>>) target(%arg5 : memref<512xi32, #tpu.memory_space<vmem>>) target_semaphore(%run_scoped3A : memref<!tpu.dma_semaphore, #tpu.memory_space<semaphore_mem>>)
      %dma_wait3A_12 = tpu.memref_slice %arg2[%mul3A_2] : memref<16384xi32, #tpu.memory_space<hbm>> -> memref<512xi32, #tpu.memory_space<hbm>>
      %dma_wait3A_13 = tpu.memref_slice %arg2[%mul3A_2] : memref<16384xi32, #tpu.memory_space<hbm>> -> memref<512xi32, #tpu.memory_space<hbm>>
      tpu.wait_dma2 semaphore(%run_scoped3A : memref<!tpu.dma_semaphore, #tpu.memory_space<semaphore_mem>>) src(%dma_wait3A_13 : memref<512xi32, #tpu.memory_space<hbm>>) dst(%arg5 : memref<512xi32, #tpu.memory_space<vmem>>)
      tpu.yield
    }) : () -> ()
    %iota3A = tpu.iota {dimensions = array<i32: 0>} : vector<16xi32>
    %scan3A = arith.constant 0 : i32
    %scan3A_3 = arith.constant 0 : i32
    %scan3A_4 = arith.constant 32 : i32
    %scan3A_5 = arith.addi %scan3A_3, %scan3A_4 : i32
    %scan3A_6 = arith.constant 1 : i32
    scf.for %scan3A_11 = %scan3A_3 to %scan3A_5 step %scan3A_6  : i32 {
      %mul3A_12 = arith.constant 16 : i32
      %mul3A_13 = arith.muli %scan3A_11, %mul3A_12 : i32
      %get3A = arith.index_cast %mul3A_13 : i32 to index
      %get3A_14 = tpu.vector_load %arg5[%get3A] {strides = array<i32>} : memref<512xi32, #tpu.memory_space<vmem>>, vector<16xi32>,
      %eq3A = arith.constant 0 : i32
      %eq3A_15 = vector.broadcast %eq3A : i32 to vector<16xi32>
      %eq3A_16 = arith.cmpi eq, %iota3A, %eq3A_15 : vector<16xi32>
      %jit3A = arith.constant 0 : i32
      %broadcast_in_dim3A = vector.broadcast %jit3A : i32 to vector<16xi32>
      %select_n3A = arith.select %eq3A_16, %get3A_14, %broadcast_in_dim3A : vector<16xi1>, vector<16xi32>
      %reduce_max3A = arith.constant true
      %reduce_max3A_17 = vector.broadcast %reduce_max3A : i1 to vector<16xi1>
      %reduce_max3A_18 = arith.constant -2147483648 : i32
      %reduce_max3A_19 = vector.broadcast %reduce_max3A_18 : i32 to vector<16xi32>
      %reduce_max3A_20 = arith.xori %select_n3A, %reduce_max3A_19 : vector<16xi32>
      %reduce_max3A_21 = tpu.scan <max>, %reduce_max3A_20 masked %reduce_max3A_17 : vector<16xi32>, vector<16xi1> -> vector<16xi32>
      %reduce_max3A_22 = arith.xori %reduce_max3A_21, %reduce_max3A_19 : vector<16xi32>
      %reduce_max3A_23 = vector.extract %reduce_max3A_22[15] : i32 from vector<16xi32>
      %mul3A_24 = arith.constant 16 : i32
      %mul3A_25 = arith.muli %scan3A_11, %mul3A_24 : i32
      %add3A_26 = arith.constant 0 : i32
      %add3A_27 = arith.addi %mul3A_25, %add3A_26 : i32
      %dma_start3A = arith.constant 0 : i32
      %dma_start3A_28 = tpu.memref_slice %arg6[%add3A_27, %dma_start3A] : memref<512x64xf32, #tpu.memory_space<vmem>> -> memref<1x64xf32, #tpu.memory_space<vmem>>
      %dma_start3A_29 = arith.constant 0 : i32
      %dma_start3A_30 = tpu.memref_slice %arg3[%reduce_max3A_23, %dma_start3A_29] : memref<1000000x64xf32, #tpu.memory_space<hbm>> -> memref<1x64xf32, #tpu.memory_space<hbm>>
      %dma_start3A_31 = arith.constant 0 : i32
      %dma_start3A_32 = tpu.memref_slice %arg6[%add3A_27, %dma_start3A_31] : memref<512x64xf32, #tpu.memory_space<vmem>> -> memref<1x64xf32, #tpu.memory_space<vmem>>
      %dma_start3A_33 = arith.constant 0 : i32
      %dma_start3A_34 = tpu.memref_slice %arg3[%reduce_max3A_23, %dma_start3A_33] : memref<1000000x64xf32, #tpu.memory_space<hbm>> -> memref<1x64xf32, #tpu.memory_space<hbm>>
      tpu.enqueue_dma source(%dma_start3A_34 : memref<1x64xf32, #tpu.memory_space<hbm>>) target(%dma_start3A_32 : memref<1x64xf32, #tpu.memory_space<vmem>>) target_semaphore(%arg7 : memref<!tpu.dma_semaphore, #tpu.memory_space<semaphore_mem>>)
      %eq3A_35 = arith.constant 1 : i32
      %eq3A_36 = vector.broadcast %eq3A_35 : i32 to vector<16xi32>
      %eq3A_37 = arith.cmpi eq, %iota3A, %eq3A_36 : vector<16xi32>
      %jit3A_38 = arith.constant 0 : i32
      %broadcast_in_dim3A_39 = vector.broadcast %jit3A_38 : i32 to vector<16xi32>
      %select_n3A_40 = arith.select %eq3A_37, %get3A_14, %broadcast_in_dim3A_39 : vector<16xi1>, vector<16xi32>
      %reduce_max3A_41 = arith.constant true
      %reduce_max3A_42 = vector.broadcast %reduce_max3A_41 : i1 to vector<16xi1>
      %reduce_max3A_43 = arith.constant -2147483648 : i32
      %reduce_max3A_44 = vector.broadcast %reduce_max3A_43 : i32 to vector<16xi32>
      %reduce_max3A_45 = arith.xori %select_n3A_40, %reduce_max3A_44 : vector<16xi32>
      %reduce_max3A_46 = tpu.scan <max>, %reduce_max3A_45 masked %reduce_max3A_42 : vector<16xi32>, vector<16xi1> -> vector<16xi32>
      %reduce_max3A_47 = arith.xori %reduce_max3A_46, %reduce_max3A_44 : vector<16xi32>
      %reduce_max3A_48 = vector.extract %reduce_max3A_47[15] : i32 from vector<16xi32>
      %mul3A_49 = arith.constant 16 : i32
      %mul3A_50 = arith.muli %scan3A_11, %mul3A_49 : i32
      %add3A_51 = arith.constant 1 : i32
      %add3A_52 = arith.addi %mul3A_50, %add3A_51 : i32
      %dma_start3A_53 = arith.constant 0 : i32
      %dma_start3A_54 = tpu.memref_slice %arg6[%add3A_52, %dma_start3A_53] : memref<512x64xf32, #tpu.memory_space<vmem>> -> memref<1x64xf32, #tpu.memory_space<vmem>>
      %dma_start3A_55 = arith.constant 0 : i32
      %dma_start3A_56 = tpu.memref_slice %arg3[%reduce_max3A_48, %dma_start3A_55] : memref<1000000x64xf32, #tpu.memory_space<hbm>> -> memref<1x64xf32, #tpu.memory_space<hbm>>
      %dma_start3A_57 = arith.constant 0 : i32
      %dma_start3A_58 = tpu.memref_slice %arg6[%add3A_52, %dma_start3A_57] : memref<512x64xf32, #tpu.memory_space<vmem>> -> memref<1x64xf32, #tpu.memory_space<vmem>>
      %dma_start3A_59 = arith.constant 0 : i32
      %dma_start3A_60 = tpu.memref_slice %arg3[%reduce_max3A_48, %dma_start3A_59] : memref<1000000x64xf32, #tpu.memory_space<hbm>> -> memref<1x64xf32, #tpu.memory_space<hbm>>
      tpu.enqueue_dma source(%dma_start3A_60 : memref<1x64xf32, #tpu.memory_space<hbm>>) target(%dma_start3A_58 : memref<1x64xf32, #tpu.memory_space<vmem>>) target_semaphore(%arg7 : memref<!tpu.dma_semaphore, #tpu.memory_space<semaphore_mem>>)
      %eq3A_61 = arith.constant 2 : i32
      %eq3A_62 = vector.broadcast %eq3A_61 : i32 to vector<16xi32>
      %eq3A_63 = arith.cmpi eq, %iota3A, %eq3A_62 : vector<16xi32>
      %jit3A_64 = arith.constant 0 : i32
      %broadcast_in_dim3A_65 = vector.broadcast %jit3A_64 : i32 to vector<16xi32>
      %select_n3A_66 = arith.select %eq3A_63, %get3A_14, %broadcast_in_dim3A_65 : vector<16xi1>, vector<16xi32>
      %reduce_max3A_67 = arith.constant true
      %reduce_max3A_68 = vector.broadcast %reduce_max3A_67 : i1 to vector<16xi1>
      %reduce_max3A_69 = arith.constant -2147483648 : i32
      %reduce_max3A_70 = vector.broadcast %reduce_max3A_69 : i32 to vector<16xi32>
      %reduce_max3A_71 = arith.xori %select_n3A_66, %reduce_max3A_70 : vector<16xi32>
      %reduce_max3A_72 = tpu.scan <max>, %reduce_max3A_71 masked %reduce_max3A_68 : vector<16xi32>, vector<16xi1> -> vector<16xi32>
      %reduce_max3A_73 = arith.xori %reduce_max3A_72, %reduce_max3A_70 : vector<16xi32>
      %reduce_max3A_74 = vector.extract %reduce_max3A_73[15] : i32 from vector<16xi32>
      %mul3A_75 = arith.constant 16 : i32
      %mul3A_76 = arith.muli %scan3A_11, %mul3A_75 : i32
      %add3A_77 = arith.constant 2 : i32
      %add3A_78 = arith.addi %mul3A_76, %add3A_77 : i32
      %dma_start3A_79 = arith.constant 0 : i32
      %dma_start3A_80 = tpu.memref_slice %arg6[%add3A_78, %dma_start3A_79] : memref<512x64xf32, #tpu.memory_space<vmem>> -> memref<1x64xf32, #tpu.memory_space<vmem>>
      %dma_start3A_81 = arith.constant 0 : i32
      %dma_start3A_82 = tpu.memref_slice %arg3[%reduce_max3A_74, %dma_start3A_81] : memref<1000000x64xf32, #tpu.memory_space<hbm>> -> memref<1x64xf32, #tpu.memory_space<hbm>>
      %dma_start3A_83 = arith.constant 0 : i32
      %dma_start3A_84 = tpu.memref_slice %arg6[%add3A_78, %dma_start3A_83] : memref<512x64xf32, #tpu.memory_space<vmem>> -> memref<1x64xf32, #tpu.memory_space<vmem>>
      %dma_start3A_85 = arith.constant 0 : i32
      %dma_start3A_86 = tpu.memref_slice %arg3[%reduce_max3A_74, %dma_start3A_85] : memref<1000000x64xf32, #tpu.memory_space<hbm>> -> memref<1x64xf32, #tpu.memory_space<hbm>>
      tpu.enqueue_dma source(%dma_start3A_86 : memref<1x64xf32, #tpu.memory_space<hbm>>) target(%dma_start3A_84 : memref<1x64xf32, #tpu.memory_space<vmem>>) target_semaphore(%arg7 : memref<!tpu.dma_semaphore, #tpu.memory_space<semaphore_mem>>)
      %eq3A_87 = arith.constant 3 : i32
      %eq3A_88 = vector.broadcast %eq3A_87 : i32 to vector<16xi32>
      %eq3A_89 = arith.cmpi eq, %iota3A, %eq3A_88 : vector<16xi32>
      %jit3A_90 = arith.constant 0 : i32
      %broadcast_in_dim3A_91 = vector.broadcast %jit3A_90 : i32 to vector<16xi32>
      %select_n3A_92 = arith.select %eq3A_89, %get3A_14, %broadcast_in_dim3A_91 : vector<16xi1>, vector<16xi32>
      %reduce_max3A_93 = arith.constant true
      %reduce_max3A_94 = vector.broadcast %reduce_max3A_93 : i1 to vector<16xi1>
      %reduce_max3A_95 = arith.constant -2147483648 : i32
      %reduce_max3A_96 = vector.broadcast %reduce_max3A_95 : i32 to vector<16xi32>
      %reduce_max3A_97 = arith.xori %select_n3A_92, %reduce_max3A_96 : vector<16xi32>
      %reduce_max3A_98 = tpu.scan <max>, %reduce_max3A_97 masked %reduce_max3A_94 : vector<16xi32>, vector<16xi1> -> vector<16xi32>
      %reduce_max3A_99 = arith.xori %reduce_max3A_98, %reduce_max3A_96 : vector<16xi32>
      %reduce_max3A_100 = vector.extract %reduce_max3A_99[15] : i32 from vector<16xi32>
      %mul3A_101 = arith.constant 16 : i32
      %mul3A_102 = arith.muli %scan3A_11, %mul3A_101 : i32
      %add3A_103 = arith.constant 3 : i32
      %add3A_104 = arith.addi %mul3A_102, %add3A_103 : i32
      %dma_start3A_105 = arith.constant 0 : i32
      %dma_start3A_106 = tpu.memref_slice %arg6[%add3A_104, %dma_start3A_105] : memref<512x64xf32, #tpu.memory_space<vmem>> -> memref<1x64xf32, #tpu.memory_space<vmem>>
      %dma_start3A_107 = arith.constant 0 : i32
      %dma_start3A_108 = tpu.memref_slice %arg3[%reduce_max3A_100, %dma_start3A_107] : memref<1000000x64xf32, #tpu.memory_space<hbm>> -> memref<1x64xf32, #tpu.memory_space<hbm>>
      %dma_start3A_109 = arith.constant 0 : i32
      %dma_start3A_110 = tpu.memref_slice %arg6[%add3A_104, %dma_start3A_109] : memref<512x64xf32, #tpu.memory_space<vmem>> -> memref<1x64xf32, #tpu.memory_space<vmem>>
      %dma_start3A_111 = arith.constant 0 : i32
      %dma_start3A_112 = tpu.memref_slice %arg3[%reduce_max3A_100, %dma_start3A_111] : memref<1000000x64xf32, #tpu.memory_space<hbm>> -> memref<1x64xf32, #tpu.memory_space<hbm>>
      tpu.enqueue_dma source(%dma_start3A_112 : memref<1x64xf32, #tpu.memory_space<hbm>>) target(%dma_start3A_110 : memref<1x64xf32, #tpu.memory_space<vmem>>) target_semaphore(%arg7 : memref<!tpu.dma_semaphore, #tpu.memory_space<semaphore_mem>>)
      %eq3A_113 = arith.constant 4 : i32
      %eq3A_114 = vector.broadcast %eq3A_113 : i32 to vector<16xi32>
      %eq3A_115 = arith.cmpi eq, %iota3A, %eq3A_114 : vector<16xi32>
      %jit3A_116 = arith.constant 0 : i32
      %broadcast_in_dim3A_117 = vector.broadcast %jit3A_116 : i32 to vector<16xi32>
      %select_n3A_118 = arith.select %eq3A_115, %get3A_14, %broadcast_in_dim3A_117 : vector<16xi1>, vector<16xi32>
      %reduce_max3A_119 = arith.constant true
      %reduce_max3A_120 = vector.broadcast %reduce_max3A_119 : i1 to vector<16xi1>
      %reduce_max3A_121 = arith.constant -2147483648 : i32
      %reduce_max3A_122 = vector.broadcast %reduce_max3A_121 : i32 to vector<16xi32>
      %reduce_max3A_123 = arith.xori %select_n3A_118, %reduce_max3A_122 : vector<16xi32>
      %reduce_max3A_124 = tpu.scan <max>, %reduce_max3A_123 masked %reduce_max3A_120 : vector<16xi32>, vector<16xi1> -> vector<16xi32>
      %reduce_max3A_125 = arith.xori %reduce_max3A_124, %reduce_max3A_122 : vector<16xi32>
      %reduce_max3A_126 = vector.extract %reduce_max3A_125[15] : i32 from vector<16xi32>
      %mul3A_127 = arith.constant 16 : i32
      %mul3A_128 = arith.muli %scan3A_11, %mul3A_127 : i32
      %add3A_129 = arith.constant 4 : i32
      %add3A_130 = arith.addi %mul3A_128, %add3A_129 : i32
      %dma_start3A_131 = arith.constant 0 : i32
      %dma_start3A_132 = tpu.memref_slice %arg6[%add3A_130, %dma_start3A_131] : memref<512x64xf32, #tpu.memory_space<vmem>> -> memref<1x64xf32, #tpu.memory_space<vmem>>
      %dma_start3A_133 = arith.constant 0 : i32
      %dma_start3A_134 = tpu.memref_slice %arg3[%reduce_max3A_126, %dma_start3A_133] : memref<1000000x64xf32, #tpu.memory_space<hbm>> -> memref<1x64xf32, #tpu.memory_space<hbm>>
      %dma_start3A_135 = arith.constant 0 : i32
      %dma_start3A_136 = tpu.memref_slice %arg6[%add3A_130, %dma_start3A_135] : memref<512x64xf32, #tpu.memory_space<vmem>> -> memref<1x64xf32, #tpu.memory_space<vmem>>
      %dma_start3A_137 = arith.constant 0 : i32
      %dma_start3A_138 = tpu.memref_slice %arg3[%reduce_max3A_126, %dma_start3A_137] : memref<1000000x64xf32, #tpu.memory_space<hbm>> -> memref<1x64xf32, #tpu.memory_space<hbm>>
      tpu.enqueue_dma source(%dma_start3A_138 : memref<1x64xf32, #tpu.memory_space<hbm>>) target(%dma_start3A_136 : memref<1x64xf32, #tpu.memory_space<vmem>>) target_semaphore(%arg7 : memref<!tpu.dma_semaphore, #tpu.memory_space<semaphore_mem>>)
      %eq3A_139 = arith.constant 5 : i32
      %eq3A_140 = vector.broadcast %eq3A_139 : i32 to vector<16xi32>
      %eq3A_141 = arith.cmpi eq, %iota3A, %eq3A_140 : vector<16xi32>
      %jit3A_142 = arith.constant 0 : i32
      %broadcast_in_dim3A_143 = vector.broadcast %jit3A_142 : i32 to vector<16xi32>
      %select_n3A_144 = arith.select %eq3A_141, %get3A_14, %broadcast_in_dim3A_143 : vector<16xi1>, vector<16xi32>
      %reduce_max3A_145 = arith.constant true
      %reduce_max3A_146 = vector.broadcast %reduce_max3A_145 : i1 to vector<16xi1>
      %reduce_max3A_147 = arith.constant -2147483648 : i32
      %reduce_max3A_148 = vector.broadcast %reduce_max3A_147 : i32 to vector<16xi32>
      %reduce_max3A_149 = arith.xori %select_n3A_144, %reduce_max3A_148 : vector<16xi32>
      %reduce_max3A_150 = tpu.scan <max>, %reduce_max3A_149 masked %reduce_max3A_146 : vector<16xi32>, vector<16xi1> -> vector<16xi32>
      %reduce_max3A_151 = arith.xori %reduce_max3A_150, %reduce_max3A_148 : vector<16xi32>
      %reduce_max3A_152 = vector.extract %reduce_max3A_151[15] : i32 from vector<16xi32>
      %mul3A_153 = arith.constant 16 : i32
      %mul3A_154 = arith.muli %scan3A_11, %mul3A_153 : i32
      %add3A_155 = arith.constant 5 : i32
      %add3A_156 = arith.addi %mul3A_154, %add3A_155 : i32
      %dma_start3A_157 = arith.constant 0 : i32
      %dma_start3A_158 = tpu.memref_slice %arg6[%add3A_156, %dma_start3A_157] : memref<512x64xf32, #tpu.memory_space<vmem>> -> memref<1x64xf32, #tpu.memory_space<vmem>>
      %dma_start3A_159 = arith.constant 0 : i32
      %dma_start3A_160 = tpu.memref_slice %arg3[%reduce_max3A_152, %dma_start3A_159] : memref<1000000x64xf32, #tpu.memory_space<hbm>> -> memref<1x64xf32, #tpu.memory_space<hbm>>
      %dma_start3A_161 = arith.constant 0 : i32
      %dma_start3A_162 = tpu.memref_slice %arg6[%add3A_156, %dma_start3A_161] : memref<512x64xf32, #tpu.memory_space<vmem>> -> memref<1x64xf32, #tpu.memory_space<vmem>>
      %dma_start3A_163 = arith.constant 0 : i32
      %dma_start3A_164 = tpu.memref_slice %arg3[%reduce_max3A_152, %dma_start3A_163] : memref<1000000x64xf32, #tpu.memory_space<hbm>> -> memref<1x64xf32, #tpu.memory_space<hbm>>
      tpu.enqueue_dma source(%dma_start3A_164 : memref<1x64xf32, #tpu.memory_space<hbm>>) target(%dma_start3A_162 : memref<1x64xf32, #tpu.memory_space<vmem>>) target_semaphore(%arg7 : memref<!tpu.dma_semaphore, #tpu.memory_space<semaphore_mem>>)
      %eq3A_165 = arith.constant 6 : i32
      %eq3A_166 = vector.broadcast %eq3A_165 : i32 to vector<16xi32>
      %eq3A_167 = arith.cmpi eq, %iota3A, %eq3A_166 : vector<16xi32>
      %jit3A_168 = arith.constant 0 : i32
      %broadcast_in_dim3A_169 = vector.broadcast %jit3A_168 : i32 to vector<16xi32>
      %select_n3A_170 = arith.select %eq3A_167, %get3A_14, %broadcast_in_dim3A_169 : vector<16xi1>, vector<16xi32>
      %reduce_max3A_171 = arith.constant true
      %reduce_max3A_172 = vector.broadcast %reduce_max3A_171 : i1 to vector<16xi1>
      %reduce_max3A_173 = arith.constant -2147483648 : i32
      %reduce_max3A_174 = vector.broadcast %reduce_max3A_173 : i32 to vector<16xi32>
      %reduce_max3A_175 = arith.xori %select_n3A_170, %reduce_max3A_174 : vector<16xi32>
      %reduce_max3A_176 = tpu.scan <max>, %reduce_max3A_175 masked %reduce_max3A_172 : vector<16xi32>, vector<16xi1> -> vector<16xi32>
      %reduce_max3A_177 = arith.xori %reduce_max3A_176, %reduce_max3A_174 : vector<16xi32>
      %reduce_max3A_178 = vector.extract %reduce_max3A_177[15] : i32 from vector<16xi32>
      %mul3A_179 = arith.constant 16 : i32
      %mul3A_180 = arith.muli %scan3A_11, %mul3A_179 : i32
      %add3A_181 = arith.constant 6 : i32
      %add3A_182 = arith.addi %mul3A_180, %add3A_181 : i32
      %dma_start3A_183 = arith.constant 0 : i32
      %dma_start3A_184 = tpu.memref_slice %arg6[%add3A_182, %dma_start3A_183] : memref<512x64xf32, #tpu.memory_space<vmem>> -> memref<1x64xf32, #tpu.memory_space<vmem>>
      %dma_start3A_185 = arith.constant 0 : i32
      %dma_start3A_186 = tpu.memref_slice %arg3[%reduce_max3A_178, %dma_start3A_185] : memref<1000000x64xf32, #tpu.memory_space<hbm>> -> memref<1x64xf32, #tpu.memory_space<hbm>>
      %dma_start3A_187 = arith.constant 0 : i32
      %dma_start3A_188 = tpu.memref_slice %arg6[%add3A_182, %dma_start3A_187] : memref<512x64xf32, #tpu.memory_space<vmem>> -> memref<1x64xf32, #tpu.memory_space<vmem>>
      %dma_start3A_189 = arith.constant 0 : i32
      %dma_start3A_190 = tpu.memref_slice %arg3[%reduce_max3A_178, %dma_start3A_189] : memref<1000000x64xf32, #tpu.memory_space<hbm>> -> memref<1x64xf32, #tpu.memory_space<hbm>>
      tpu.enqueue_dma source(%dma_start3A_190 : memref<1x64xf32, #tpu.memory_space<hbm>>) target(%dma_start3A_188 : memref<1x64xf32, #tpu.memory_space<vmem>>) target_semaphore(%arg7 : memref<!tpu.dma_semaphore, #tpu.memory_space<semaphore_mem>>)
      %eq3A_191 = arith.constant 7 : i32
      %eq3A_192 = vector.broadcast %eq3A_191 : i32 to vector<16xi32>
      %eq3A_193 = arith.cmpi eq, %iota3A, %eq3A_192 : vector<16xi32>
      %jit3A_194 = arith.constant 0 : i32
      %broadcast_in_dim3A_195 = vector.broadcast %jit3A_194 : i32 to vector<16xi32>
      %select_n3A_196 = arith.select %eq3A_193, %get3A_14, %broadcast_in_dim3A_195 : vector<16xi1>, vector<16xi32>
      %reduce_max3A_197 = arith.constant true
      %reduce_max3A_198 = vector.broadcast %reduce_max3A_197 : i1 to vector<16xi1>
      %reduce_max3A_199 = arith.constant -2147483648 : i32
      %reduce_max3A_200 = vector.broadcast %reduce_max3A_199 : i32 to vector<16xi32>
      %reduce_max3A_201 = arith.xori %select_n3A_196, %reduce_max3A_200 : vector<16xi32>
      %reduce_max3A_202 = tpu.scan <max>, %reduce_max3A_201 masked %reduce_max3A_198 : vector<16xi32>, vector<16xi1> -> vector<16xi32>
      %reduce_max3A_203 = arith.xori %reduce_max3A_202, %reduce_max3A_200 : vector<16xi32>
      %reduce_max3A_204 = vector.extract %reduce_max3A_203[15] : i32 from vector<16xi32>
      %mul3A_205 = arith.constant 16 : i32
      %mul3A_206 = arith.muli %scan3A_11, %mul3A_205 : i32
      %add3A_207 = arith.constant 7 : i32
      %add3A_208 = arith.addi %mul3A_206, %add3A_207 : i32
      %dma_start3A_209 = arith.constant 0 : i32
      %dma_start3A_210 = tpu.memref_slice %arg6[%add3A_208, %dma_start3A_209] : memref<512x64xf32, #tpu.memory_space<vmem>> -> memref<1x64xf32, #tpu.memory_space<vmem>>
      %dma_start3A_211 = arith.constant 0 : i32
      %dma_start3A_212 = tpu.memref_slice %arg3[%reduce_max3A_204, %dma_start3A_211] : memref<1000000x64xf32, #tpu.memory_space<hbm>> -> memref<1x64xf32, #tpu.memory_space<hbm>>
      %dma_start3A_213 = arith.constant 0 : i32
      %dma_start3A_214 = tpu.memref_slice %arg6[%add3A_208, %dma_start3A_213] : memref<512x64xf32, #tpu.memory_space<vmem>> -> memref<1x64xf32, #tpu.memory_space<vmem>>
      %dma_start3A_215 = arith.constant 0 : i32
      %dma_start3A_216 = tpu.memref_slice %arg3[%reduce_max3A_204, %dma_start3A_215] : memref<1000000x64xf32, #tpu.memory_space<hbm>> -> memref<1x64xf32, #tpu.memory_space<hbm>>
      tpu.enqueue_dma source(%dma_start3A_216 : memref<1x64xf32, #tpu.memory_space<hbm>>) target(%dma_start3A_214 : memref<1x64xf32, #tpu.memory_space<vmem>>) target_semaphore(%arg7 : memref<!tpu.dma_semaphore, #tpu.memory_space<semaphore_mem>>)
      %eq3A_217 = arith.constant 8 : i32
      %eq3A_218 = vector.broadcast %eq3A_217 : i32 to vector<16xi32>
      %eq3A_219 = arith.cmpi eq, %iota3A, %eq3A_218 : vector<16xi32>
      %jit3A_220 = arith.constant 0 : i32
      %broadcast_in_dim3A_221 = vector.broadcast %jit3A_220 : i32 to vector<16xi32>
      %select_n3A_222 = arith.select %eq3A_219, %get3A_14, %broadcast_in_dim3A_221 : vector<16xi1>, vector<16xi32>
      %reduce_max3A_223 = arith.constant true
      %reduce_max3A_224 = vector.broadcast %reduce_max3A_223 : i1 to vector<16xi1>
      %reduce_max3A_225 = arith.constant -2147483648 : i32
      %reduce_max3A_226 = vector.broadcast %reduce_max3A_225 : i32 to vector<16xi32>
      %reduce_max3A_227 = arith.xori %select_n3A_222, %reduce_max3A_226 : vector<16xi32>
      %reduce_max3A_228 = tpu.scan <max>, %reduce_max3A_227 masked %reduce_max3A_224 : vector<16xi32>, vector<16xi1> -> vector<16xi32>
      %reduce_max3A_229 = arith.xori %reduce_max3A_228, %reduce_max3A_226 : vector<16xi32>
      %reduce_max3A_230 = vector.extract %reduce_max3A_229[15] : i32 from vector<16xi32>
      %mul3A_231 = arith.constant 16 : i32
      %mul3A_232 = arith.muli %scan3A_11, %mul3A_231 : i32
      %add3A_233 = arith.constant 8 : i32
      %add3A_234 = arith.addi %mul3A_232, %add3A_233 : i32
      %dma_start3A_235 = arith.constant 0 : i32
      %dma_start3A_236 = tpu.memref_slice %arg6[%add3A_234, %dma_start3A_235] : memref<512x64xf32, #tpu.memory_space<vmem>> -> memref<1x64xf32, #tpu.memory_space<vmem>>
      %dma_start3A_237 = arith.constant 0 : i32
      %dma_start3A_238 = tpu.memref_slice %arg3[%reduce_max3A_230, %dma_start3A_237] : memref<1000000x64xf32, #tpu.memory_space<hbm>> -> memref<1x64xf32, #tpu.memory_space<hbm>>
      %dma_start3A_239 = arith.constant 0 : i32
      %dma_start3A_240 = tpu.memref_slice %arg6[%add3A_234, %dma_start3A_239] : memref<512x64xf32, #tpu.memory_space<vmem>> -> memref<1x64xf32, #tpu.memory_space<vmem>>
      %dma_start3A_241 = arith.constant 0 : i32
      %dma_start3A_242 = tpu.memref_slice %arg3[%reduce_max3A_230, %dma_start3A_241] : memref<1000000x64xf32, #tpu.memory_space<hbm>> -> memref<1x64xf32, #tpu.memory_space<hbm>>
      tpu.enqueue_dma source(%dma_start3A_242 : memref<1x64xf32, #tpu.memory_space<hbm>>) target(%dma_start3A_240 : memref<1x64xf32, #tpu.memory_space<vmem>>) target_semaphore(%arg7 : memref<!tpu.dma_semaphore, #tpu.memory_space<semaphore_mem>>)
      %eq3A_243 = arith.constant 9 : i32
      %eq3A_244 = vector.broadcast %eq3A_243 : i32 to vector<16xi32>
      %eq3A_245 = arith.cmpi eq, %iota3A, %eq3A_244 : vector<16xi32>
      %jit3A_246 = arith.constant 0 : i32
      %broadcast_in_dim3A_247 = vector.broadcast %jit3A_246 : i32 to vector<16xi32>
      %select_n3A_248 = arith.select %eq3A_245, %get3A_14, %broadcast_in_dim3A_247 : vector<16xi1>, vector<16xi32>
      %reduce_max3A_249 = arith.constant true
      %reduce_max3A_250 = vector.broadcast %reduce_max3A_249 : i1 to vector<16xi1>
      %reduce_max3A_251 = arith.constant -2147483648 : i32
      %reduce_max3A_252 = vector.broadcast %reduce_max3A_251 : i32 to vector<16xi32>
      %reduce_max3A_253 = arith.xori %select_n3A_248, %reduce_max3A_252 : vector<16xi32>
      %reduce_max3A_254 = tpu.scan <max>, %reduce_max3A_253 masked %reduce_max3A_250 : vector<16xi32>, vector<16xi1> -> vector<16xi32>
      %reduce_max3A_255 = arith.xori %reduce_max3A_254, %reduce_max3A_252 : vector<16xi32>
      %reduce_max3A_256 = vector.extract %reduce_max3A_255[15] : i32 from vector<16xi32>
      %mul3A_257 = arith.constant 16 : i32
      %mul3A_258 = arith.muli %scan3A_11, %mul3A_257 : i32
      %add3A_259 = arith.constant 9 : i32
      %add3A_260 = arith.addi %mul3A_258, %add3A_259 : i32
      %dma_start3A_261 = arith.constant 0 : i32
      %dma_start3A_262 = tpu.memref_slice %arg6[%add3A_260, %dma_start3A_261] : memref<512x64xf32, #tpu.memory_space<vmem>> -> memref<1x64xf32, #tpu.memory_space<vmem>>
      %dma_start3A_263 = arith.constant 0 : i32
      %dma_start3A_264 = tpu.memref_slice %arg3[%reduce_max3A_256, %dma_start3A_263] : memref<1000000x64xf32, #tpu.memory_space<hbm>> -> memref<1x64xf32, #tpu.memory_space<hbm>>
      %dma_start3A_265 = arith.constant 0 : i32
      %dma_start3A_266 = tpu.memref_slice %arg6[%add3A_260, %dma_start3A_265] : memref<512x64xf32, #tpu.memory_space<vmem>> -> memref<1x64xf32, #tpu.memory_space<vmem>>
      %dma_start3A_267 = arith.constant 0 : i32
      %dma_start3A_268 = tpu.memref_slice %arg3[%reduce_max3A_256, %dma_start3A_267] : memref<1000000x64xf32, #tpu.memory_space<hbm>> -> memref<1x64xf32, #tpu.memory_space<hbm>>
      tpu.enqueue_dma source(%dma_start3A_268 : memref<1x64xf32, #tpu.memory_space<hbm>>) target(%dma_start3A_266 : memref<1x64xf32, #tpu.memory_space<vmem>>) target_semaphore(%arg7 : memref<!tpu.dma_semaphore, #tpu.memory_space<semaphore_mem>>)
      %eq3A_269 = arith.constant 10 : i32
      %eq3A_270 = vector.broadcast %eq3A_269 : i32 to vector<16xi32>
      %eq3A_271 = arith.cmpi eq, %iota3A, %eq3A_270 : vector<16xi32>
      %jit3A_272 = arith.constant 0 : i32
      %broadcast_in_dim3A_273 = vector.broadcast %jit3A_272 : i32 to vector<16xi32>
      %select_n3A_274 = arith.select %eq3A_271, %get3A_14, %broadcast_in_dim3A_273 : vector<16xi1>, vector<16xi32>
      %reduce_max3A_275 = arith.constant true
      %reduce_max3A_276 = vector.broadcast %reduce_max3A_275 : i1 to vector<16xi1>
      %reduce_max3A_277 = arith.constant -2147483648 : i32
      %reduce_max3A_278 = vector.broadcast %reduce_max3A_277 : i32 to vector<16xi32>
      %reduce_max3A_279 = arith.xori %select_n3A_274, %reduce_max3A_278 : vector<16xi32>
      %reduce_max3A_280 = tpu.scan <max>, %reduce_max3A_279 masked %reduce_max3A_276 : vector<16xi32>, vector<16xi1> -> vector<16xi32>
      %reduce_max3A_281 = arith.xori %reduce_max3A_280, %reduce_max3A_278 : vector<16xi32>
      %reduce_max3A_282 = vector.extract %reduce_max3A_281[15] : i32 from vector<16xi32>
      %mul3A_283 = arith.constant 16 : i32
      %mul3A_284 = arith.muli %scan3A_11, %mul3A_283 : i32
      %add3A_285 = arith.constant 10 : i32
      %add3A_286 = arith.addi %mul3A_284, %add3A_285 : i32
      %dma_start3A_287 = arith.constant 0 : i32
      %dma_start3A_288 = tpu.memref_slice %arg6[%add3A_286, %dma_start3A_287] : memref<512x64xf32, #tpu.memory_space<vmem>> -> memref<1x64xf32, #tpu.memory_space<vmem>>
      %dma_start3A_289 = arith.constant 0 : i32
      %dma_start3A_290 = tpu.memref_slice %arg3[%reduce_max3A_282, %dma_start3A_289] : memref<1000000x64xf32, #tpu.memory_space<hbm>> -> memref<1x64xf32, #tpu.memory_space<hbm>>
      %dma_start3A_291 = arith.constant 0 : i32
      %dma_start3A_292 = tpu.memref_slice %arg6[%add3A_286, %dma_start3A_291] : memref<512x64xf32, #tpu.memory_space<vmem>> -> memref<1x64xf32, #tpu.memory_space<vmem>>
      %dma_start3A_293 = arith.constant 0 : i32
      %dma_start3A_294 = tpu.memref_slice %arg3[%reduce_max3A_282, %dma_start3A_293] : memref<1000000x64xf32, #tpu.memory_space<hbm>> -> memref<1x64xf32, #tpu.memory_space<hbm>>
      tpu.enqueue_dma source(%dma_start3A_294 : memref<1x64xf32, #tpu.memory_space<hbm>>) target(%dma_start3A_292 : memref<1x64xf32, #tpu.memory_space<vmem>>) target_semaphore(%arg7 : memref<!tpu.dma_semaphore, #tpu.memory_space<semaphore_mem>>)
      %eq3A_295 = arith.constant 11 : i32
      %eq3A_296 = vector.broadcast %eq3A_295 : i32 to vector<16xi32>
      %eq3A_297 = arith.cmpi eq, %iota3A, %eq3A_296 : vector<16xi32>
      %jit3A_298 = arith.constant 0 : i32
      %broadcast_in_dim3A_299 = vector.broadcast %jit3A_298 : i32 to vector<16xi32>
      %select_n3A_300 = arith.select %eq3A_297, %get3A_14, %broadcast_in_dim3A_299 : vector<16xi1>, vector<16xi32>
      %reduce_max3A_301 = arith.constant true
      %reduce_max3A_302 = vector.broadcast %reduce_max3A_301 : i1 to vector<16xi1>
      %reduce_max3A_303 = arith.constant -2147483648 : i32
      %reduce_max3A_304 = vector.broadcast %reduce_max3A_303 : i32 to vector<16xi32>
      %reduce_max3A_305 = arith.xori %select_n3A_300, %reduce_max3A_304 : vector<16xi32>
      %reduce_max3A_306 = tpu.scan <max>, %reduce_max3A_305 masked %reduce_max3A_302 : vector<16xi32>, vector<16xi1> -> vector<16xi32>
      %reduce_max3A_307 = arith.xori %reduce_max3A_306, %reduce_max3A_304 : vector<16xi32>
      %reduce_max3A_308 = vector.extract %reduce_max3A_307[15] : i32 from vector<16xi32>
      %mul3A_309 = arith.constant 16 : i32
      %mul3A_310 = arith.muli %scan3A_11, %mul3A_309 : i32
      %add3A_311 = arith.constant 11 : i32
      %add3A_312 = arith.addi %mul3A_310, %add3A_311 : i32
      %dma_start3A_313 = arith.constant 0 : i32
      %dma_start3A_314 = tpu.memref_slice %arg6[%add3A_312, %dma_start3A_313] : memref<512x64xf32, #tpu.memory_space<vmem>> -> memref<1x64xf32, #tpu.memory_space<vmem>>
      %dma_start3A_315 = arith.constant 0 : i32
      %dma_start3A_316 = tpu.memref_slice %arg3[%reduce_max3A_308, %dma_start3A_315] : memref<1000000x64xf32, #tpu.memory_space<hbm>> -> memref<1x64xf32, #tpu.memory_space<hbm>>
      %dma_start3A_317 = arith.constant 0 : i32
      %dma_start3A_318 = tpu.memref_slice %arg6[%add3A_312, %dma_start3A_317] : memref<512x64xf32, #tpu.memory_space<vmem>> -> memref<1x64xf32, #tpu.memory_space<vmem>>
      %dma_start3A_319 = arith.constant 0 : i32
      %dma_start3A_320 = tpu.memref_slice %arg3[%reduce_max3A_308, %dma_start3A_319] : memref<1000000x64xf32, #tpu.memory_space<hbm>> -> memref<1x64xf32, #tpu.memory_space<hbm>>
      tpu.enqueue_dma source(%dma_start3A_320 : memref<1x64xf32, #tpu.memory_space<hbm>>) target(%dma_start3A_318 : memref<1x64xf32, #tpu.memory_space<vmem>>) target_semaphore(%arg7 : memref<!tpu.dma_semaphore, #tpu.memory_space<semaphore_mem>>)
      %eq3A_321 = arith.constant 12 : i32
      %eq3A_322 = vector.broadcast %eq3A_321 : i32 to vector<16xi32>
      %eq3A_323 = arith.cmpi eq, %iota3A, %eq3A_322 : vector<16xi32>
      %jit3A_324 = arith.constant 0 : i32
      %broadcast_in_dim3A_325 = vector.broadcast %jit3A_324 : i32 to vector<16xi32>
      %select_n3A_326 = arith.select %eq3A_323, %get3A_14, %broadcast_in_dim3A_325 : vector<16xi1>, vector<16xi32>
      %reduce_max3A_327 = arith.constant true
      %reduce_max3A_328 = vector.broadcast %reduce_max3A_327 : i1 to vector<16xi1>
      %reduce_max3A_329 = arith.constant -2147483648 : i32
      %reduce_max3A_330 = vector.broadcast %reduce_max3A_329 : i32 to vector<16xi32>
      %reduce_max3A_331 = arith.xori %select_n3A_326, %reduce_max3A_330 : vector<16xi32>
      %reduce_max3A_332 = tpu.scan <max>, %reduce_max3A_331 masked %reduce_max3A_328 : vector<16xi32>, vector<16xi1> -> vector<16xi32>
      %reduce_max3A_333 = arith.xori %reduce_max3A_332, %reduce_max3A_330 : vector<16xi32>
      %reduce_max3A_334 = vector.extract %reduce_max3A_333[15] : i32 from vector<16xi32>
      %mul3A_335 = arith.constant 16 : i32
      %mul3A_336 = arith.muli %scan3A_11, %mul3A_335 : i32
      %add3A_337 = arith.constant 12 : i32
      %add3A_338 = arith.addi %mul3A_336, %add3A_337 : i32
      %dma_start3A_339 = arith.constant 0 : i32
      %dma_start3A_340 = tpu.memref_slice %arg6[%add3A_338, %dma_start3A_339] : memref<512x64xf32, #tpu.memory_space<vmem>> -> memref<1x64xf32, #tpu.memory_space<vmem>>
      %dma_start3A_341 = arith.constant 0 : i32
      %dma_start3A_342 = tpu.memref_slice %arg3[%reduce_max3A_334, %dma_start3A_341] : memref<1000000x64xf32, #tpu.memory_space<hbm>> -> memref<1x64xf32, #tpu.memory_space<hbm>>
      %dma_start3A_343 = arith.constant 0 : i32
      %dma_start3A_344 = tpu.memref_slice %arg6[%add3A_338, %dma_start3A_343] : memref<512x64xf32, #tpu.memory_space<vmem>> -> memref<1x64xf32, #tpu.memory_space<vmem>>
      %dma_start3A_345 = arith.constant 0 : i32
      %dma_start3A_346 = tpu.memref_slice %arg3[%reduce_max3A_334, %dma_start3A_345] : memref<1000000x64xf32, #tpu.memory_space<hbm>> -> memref<1x64xf32, #tpu.memory_space<hbm>>
      tpu.enqueue_dma source(%dma_start3A_346 : memref<1x64xf32, #tpu.memory_space<hbm>>) target(%dma_start3A_344 : memref<1x64xf32, #tpu.memory_space<vmem>>) target_semaphore(%arg7 : memref<!tpu.dma_semaphore, #tpu.memory_space<semaphore_mem>>)
      %eq3A_347 = arith.constant 13 : i32
      %eq3A_348 = vector.broadcast %eq3A_347 : i32 to vector<16xi32>
      %eq3A_349 = arith.cmpi eq, %iota3A, %eq3A_348 : vector<16xi32>
      %jit3A_350 = arith.constant 0 : i32
      %broadcast_in_dim3A_351 = vector.broadcast %jit3A_350 : i32 to vector<16xi32>
      %select_n3A_352 = arith.select %eq3A_349, %get3A_14, %broadcast_in_dim3A_351 : vector<16xi1>, vector<16xi32>
      %reduce_max3A_353 = arith.constant true
      %reduce_max3A_354 = vector.broadcast %reduce_max3A_353 : i1 to vector<16xi1>
      %reduce_max3A_355 = arith.constant -2147483648 : i32
      %reduce_max3A_356 = vector.broadcast %reduce_max3A_355 : i32 to vector<16xi32>
      %reduce_max3A_357 = arith.xori %select_n3A_352, %reduce_max3A_356 : vector<16xi32>
      %reduce_max3A_358 = tpu.scan <max>, %reduce_max3A_357 masked %reduce_max3A_354 : vector<16xi32>, vector<16xi1> -> vector<16xi32>
      %reduce_max3A_359 = arith.xori %reduce_max3A_358, %reduce_max3A_356 : vector<16xi32>
      %reduce_max3A_360 = vector.extract %reduce_max3A_359[15] : i32 from vector<16xi32>
      %mul3A_361 = arith.constant 16 : i32
      %mul3A_362 = arith.muli %scan3A_11, %mul3A_361 : i32
      %add3A_363 = arith.constant 13 : i32
      %add3A_364 = arith.addi %mul3A_362, %add3A_363 : i32
      %dma_start3A_365 = arith.constant 0 : i32
      %dma_start3A_366 = tpu.memref_slice %arg6[%add3A_364, %dma_start3A_365] : memref<512x64xf32, #tpu.memory_space<vmem>> -> memref<1x64xf32, #tpu.memory_space<vmem>>
      %dma_start3A_367 = arith.constant 0 : i32
      %dma_start3A_368 = tpu.memref_slice %arg3[%reduce_max3A_360, %dma_start3A_367] : memref<1000000x64xf32, #tpu.memory_space<hbm>> -> memref<1x64xf32, #tpu.memory_space<hbm>>
      %dma_start3A_369 = arith.constant 0 : i32
      %dma_start3A_370 = tpu.memref_slice %arg6[%add3A_364, %dma_start3A_369] : memref<512x64xf32, #tpu.memory_space<vmem>> -> memref<1x64xf32, #tpu.memory_space<vmem>>
      %dma_start3A_371 = arith.constant 0 : i32
      %dma_start3A_372 = tpu.memref_slice %arg3[%reduce_max3A_360, %dma_start3A_371] : memref<1000000x64xf32, #tpu.memory_space<hbm>> -> memref<1x64xf32, #tpu.memory_space<hbm>>
      tpu.enqueue_dma source(%dma_start3A_372 : memref<1x64xf32, #tpu.memory_space<hbm>>) target(%dma_start3A_370 : memref<1x64xf32, #tpu.memory_space<vmem>>) target_semaphore(%arg7 : memref<!tpu.dma_semaphore, #tpu.memory_space<semaphore_mem>>)
      %eq3A_373 = arith.constant 14 : i32
      %eq3A_374 = vector.broadcast %eq3A_373 : i32 to vector<16xi32>
      %eq3A_375 = arith.cmpi eq, %iota3A, %eq3A_374 : vector<16xi32>
      %jit3A_376 = arith.constant 0 : i32
      %broadcast_in_dim3A_377 = vector.broadcast %jit3A_376 : i32 to vector<16xi32>
      %select_n3A_378 = arith.select %eq3A_375, %get3A_14, %broadcast_in_dim3A_377 : vector<16xi1>, vector<16xi32>
      %reduce_max3A_379 = arith.constant true
      %reduce_max3A_380 = vector.broadcast %reduce_max3A_379 : i1 to vector<16xi1>
      %reduce_max3A_381 = arith.constant -2147483648 : i32
      %reduce_max3A_382 = vector.broadcast %reduce_max3A_381 : i32 to vector<16xi32>
      %reduce_max3A_383 = arith.xori %select_n3A_378, %reduce_max3A_382 : vector<16xi32>
      %reduce_max3A_384 = tpu.scan <max>, %reduce_max3A_383 masked %reduce_max3A_380 : vector<16xi32>, vector<16xi1> -> vector<16xi32>
      %reduce_max3A_385 = arith.xori %reduce_max3A_384, %reduce_max3A_382 : vector<16xi32>
      %reduce_max3A_386 = vector.extract %reduce_max3A_385[15] : i32 from vector<16xi32>
      %mul3A_387 = arith.constant 16 : i32
      %mul3A_388 = arith.muli %scan3A_11, %mul3A_387 : i32
      %add3A_389 = arith.constant 14 : i32
      %add3A_390 = arith.addi %mul3A_388, %add3A_389 : i32
      %dma_start3A_391 = arith.constant 0 : i32
      %dma_start3A_392 = tpu.memref_slice %arg6[%add3A_390, %dma_start3A_391] : memref<512x64xf32, #tpu.memory_space<vmem>> -> memref<1x64xf32, #tpu.memory_space<vmem>>
      %dma_start3A_393 = arith.constant 0 : i32
      %dma_start3A_394 = tpu.memref_slice %arg3[%reduce_max3A_386, %dma_start3A_393] : memref<1000000x64xf32, #tpu.memory_space<hbm>> -> memref<1x64xf32, #tpu.memory_space<hbm>>
      %dma_start3A_395 = arith.constant 0 : i32
      %dma_start3A_396 = tpu.memref_slice %arg6[%add3A_390, %dma_start3A_395] : memref<512x64xf32, #tpu.memory_space<vmem>> -> memref<1x64xf32, #tpu.memory_space<vmem>>
      %dma_start3A_397 = arith.constant 0 : i32
      %dma_start3A_398 = tpu.memref_slice %arg3[%reduce_max3A_386, %dma_start3A_397] : memref<1000000x64xf32, #tpu.memory_space<hbm>> -> memref<1x64xf32, #tpu.memory_space<hbm>>
      tpu.enqueue_dma source(%dma_start3A_398 : memref<1x64xf32, #tpu.memory_space<hbm>>) target(%dma_start3A_396 : memref<1x64xf32, #tpu.memory_space<vmem>>) target_semaphore(%arg7 : memref<!tpu.dma_semaphore, #tpu.memory_space<semaphore_mem>>)
      %eq3A_399 = arith.constant 15 : i32
      %eq3A_400 = vector.broadcast %eq3A_399 : i32 to vector<16xi32>
      %eq3A_401 = arith.cmpi eq, %iota3A, %eq3A_400 : vector<16xi32>
      %jit3A_402 = arith.constant 0 : i32
      %broadcast_in_dim3A_403 = vector.broadcast %jit3A_402 : i32 to vector<16xi32>
      %select_n3A_404 = arith.select %eq3A_401, %get3A_14, %broadcast_in_dim3A_403 : vector<16xi1>, vector<16xi32>
      %reduce_max3A_405 = arith.constant true
      %reduce_max3A_406 = vector.broadcast %reduce_max3A_405 : i1 to vector<16xi1>
      %reduce_max3A_407 = arith.constant -2147483648 : i32
      %reduce_max3A_408 = vector.broadcast %reduce_max3A_407 : i32 to vector<16xi32>
      %reduce_max3A_409 = arith.xori %select_n3A_404, %reduce_max3A_408 : vector<16xi32>
      %reduce_max3A_410 = tpu.scan <max>, %reduce_max3A_409 masked %reduce_max3A_406 : vector<16xi32>, vector<16xi1> -> vector<16xi32>
      %reduce_max3A_411 = arith.xori %reduce_max3A_410, %reduce_max3A_408 : vector<16xi32>
      %reduce_max3A_412 = vector.extract %reduce_max3A_411[15] : i32 from vector<16xi32>
      %mul3A_413 = arith.constant 16 : i32
      %mul3A_414 = arith.muli %scan3A_11, %mul3A_413 : i32
      %add3A_415 = arith.constant 15 : i32
      %add3A_416 = arith.addi %mul3A_414, %add3A_415 : i32
      %dma_start3A_417 = arith.constant 0 : i32
      %dma_start3A_418 = tpu.memref_slice %arg6[%add3A_416, %dma_start3A_417] : memref<512x64xf32, #tpu.memory_space<vmem>> -> memref<1x64xf32, #tpu.memory_space<vmem>>
      %dma_start3A_419 = arith.constant 0 : i32
      %dma_start3A_420 = tpu.memref_slice %arg3[%reduce_max3A_412, %dma_start3A_419] : memref<1000000x64xf32, #tpu.memory_space<hbm>> -> memref<1x64xf32, #tpu.memory_space<hbm>>
      %dma_start3A_421 = arith.constant 0 : i32
      %dma_start3A_422 = tpu.memref_slice %arg6[%add3A_416, %dma_start3A_421] : memref<512x64xf32, #tpu.memory_space<vmem>> -> memref<1x64xf32, #tpu.memory_space<vmem>>
      %dma_start3A_423 = arith.constant 0 : i32
      %dma_start3A_424 = tpu.memref_slice %arg3[%reduce_max3A_412, %dma_start3A_423] : memref<1000000x64xf32, #tpu.memory_space<hbm>> -> memref<1x64xf32, #tpu.memory_space<hbm>>
      tpu.enqueue_dma source(%dma_start3A_424 : memref<1x64xf32, #tpu.memory_space<hbm>>) target(%dma_start3A_422 : memref<1x64xf32, #tpu.memory_space<vmem>>) target_semaphore(%arg7 : memref<!tpu.dma_semaphore, #tpu.memory_space<semaphore_mem>>)
    }
    %scan3A_7 = arith.constant 32 : i32
    %dma_wait3A = arith.constant 0 : i32
    %dma_wait3A_8 = tpu.memref_slice %arg4[%mul3A_2, %dma_wait3A] : memref<16384x64xf32, #tpu.memory_space<hbm>> -> memref<512x64xf32, #tpu.memory_space<hbm>>
    %dma_wait3A_9 = arith.constant 0 : i32
    %dma_wait3A_10 = tpu.memref_slice %arg4[%mul3A_2, %dma_wait3A_9] : memref<16384x64xf32, #tpu.memory_space<hbm>> -> memref<512x64xf32, #tpu.memory_space<hbm>>
    tpu.wait_dma2 semaphore(%arg7 : memref<!tpu.dma_semaphore, #tpu.memory_space<semaphore_mem>>) src(%dma_wait3A_10 : memref<512x64xf32, #tpu.memory_space<hbm>>) dst(%arg6 : memref<512x64xf32, #tpu.memory_space<vmem>>)
    "tpu.region"() ({
      %run_scoped3A = tpu.sem_alloc : memref<!tpu.dma_semaphore, #tpu.memory_space<semaphore_mem>>
      %dma_start3A = arith.constant 0 : i32
      %dma_start3A_11 = tpu.memref_slice %arg4[%mul3A_2, %dma_start3A] : memref<16384x64xf32, #tpu.memory_space<hbm>> -> memref<512x64xf32, #tpu.memory_space<hbm>>
      %dma_start3A_12 = arith.constant 0 : i32
      %dma_start3A_13 = tpu.memref_slice %arg4[%mul3A_2, %dma_start3A_12] : memref<16384x64xf32, #tpu.memory_space<hbm>> -> memref<512x64xf32, #tpu.memory_space<hbm>>
      tpu.enqueue_dma source(%arg6 : memref<512x64xf32, #tpu.memory_space<vmem>>) target(%dma_start3A_13 : memref<512x64xf32, #tpu.memory_space<hbm>>) target_semaphore(%run_scoped3A : memref<!tpu.dma_semaphore, #tpu.memory_space<semaphore_mem>>)
      %dma_wait3A_14 = arith.constant 0 : i32
      %dma_wait3A_15 = tpu.memref_slice %arg4[%mul3A_2, %dma_wait3A_14] : memref<16384x64xf32, #tpu.memory_space<hbm>> -> memref<512x64xf32, #tpu.memory_space<hbm>>
      %dma_wait3A_16 = arith.constant 0 : i32
      %dma_wait3A_17 = tpu.memref_slice %arg4[%mul3A_2, %dma_wait3A_16] : memref<16384x64xf32, #tpu.memory_space<hbm>> -> memref<512x64xf32, #tpu.memory_space<hbm>>
      tpu.wait_dma2 semaphore(%run_scoped3A : memref<!tpu.dma_semaphore, #tpu.memory_space<semaphore_mem>>) src(%arg6 : memref<512x64xf32, #tpu.memory_space<vmem>>) dst(%dma_wait3A_17 : memref<512x64xf32, #tpu.memory_space<hbm>>)
      tpu.yield
    }) : () -> ()
    return
  }
}

module attributes {stable_mosaic.version = 14 : i64} {
  func.func @_tc_body(%arg0: i32, %arg1: memref<1024x64xf32, #tpu.memory_space<vmem>>, %arg2: memref<64x64xf32, #tpu.memory_space<vmem>>, %arg3: memref<64x64xf32, #tpu.memory_space<vmem>>, %arg4: memref<5x64xf32, #tpu.memory_space<vmem>>, %arg5: memref<1x5xf32, #tpu.memory_space<vmem>>, %arg6: memref<1024x5xf32, #tpu.memory_space<vmem>>, %arg7: memref<512x5xf32, #tpu.memory_space<vmem>>) attributes {dimension_semantics = [#tpu.dimension_semantics<arbitrary>], iteration_bounds = array<i64: 16>, scalar_prefetch = 0 : i64, scratch_operands = 0 : i64, tpu.core_type = #tpu.core_type<tc>, window_params = [{transform_indices = @transform_0, window_bounds = array<i64: 1024, 64>}, {pipeline_mode = #tpu.pipeline_mode<synchronous>, transform_indices = @transform_1, window_bounds = array<i64: 64, 64>}, {pipeline_mode = #tpu.pipeline_mode<synchronous>, transform_indices = @transform_2, window_bounds = array<i64: 64, 64>}, {pipeline_mode = #tpu.pipeline_mode<synchronous>, transform_indices = @transform_3, window_bounds = array<i64: 5, 64>}, {pipeline_mode = #tpu.pipeline_mode<synchronous>, transform_indices = @transform_4, window_bounds = array<i64: 1, 5>}, {transform_indices = @transform_5, window_bounds = array<i64: 1024, 5>}, {transform_indices = @transform_6, window_bounds = array<i64: 512, 5>}]} {
    %get3A = arith.constant 0 : index
    %get3A_0 = arith.constant 0 : index
    %get3A_1 = vector.load %arg1[%get3A, %get3A_0] : memref<1024x64xf32, #tpu.memory_space<vmem>>, vector<1024x64xf32>
    %mul3A = arith.mulf %get3A_1, %get3A_1 : vector<1024x64xf32>
    %reduce_sum3A = arith.constant dense<0.000000e+00> : vector<1024xf32>
    %reduce_sum3A_2 = vector.multi_reduction <add>, %mul3A, %reduce_sum3A [1] : vector<1024x64xf32> to vector<1024xf32>
    %broadcast_in_dim3A = vector.shape_cast %reduce_sum3A_2 : vector<1024xf32> to vector<1024x1xf32>
    %sqrt3A = math.sqrt %broadcast_in_dim3A : vector<1024x1xf32>
    %add3A = arith.constant 9.99999996E-13 : f32
    %add3A_3 = vector.broadcast %add3A : f32 to vector<1024x1xf32>
    %add3A_4 = arith.addf %sqrt3A, %add3A_3 : vector<1024x1xf32>
    %div3A = vector.broadcast %add3A_4 : vector<1024x1xf32> to vector<1024x64xf32>
    %div3A_5 = arith.divf %get3A_1, %div3A : vector<1024x64xf32>
    %roll3A = arith.constant 1023 : i32
    %roll3A_6 = tpu.dynamic_rotate %div3A_5 by %roll3A dim 0 : vector<1024x64xf32>, i32 -> vector<1024x64xf32>
    %get3A_7 = arith.constant 0 : index
    %get3A_8 = arith.constant 0 : index
    %get3A_9 = vector.load %arg2[%get3A_7, %get3A_8] : memref<64x64xf32, #tpu.memory_space<vmem>>, vector<64x64xf32>
    %get3A_10 = arith.constant 0 : index
    %get3A_11 = arith.constant 0 : index
    %get3A_12 = vector.load %arg3[%get3A_10, %get3A_11] : memref<64x64xf32, #tpu.memory_space<vmem>>, vector<64x64xf32>
    %dot_general3A = arith.constant dense<0.000000e+00> : vector<1024x64xf32>
    %dot_general3A_13 = tpu.matmul %div3A_5, %get3A_9, %dot_general3A {dimension_numbers = #tpu.dot_dimension_numbers<[1], [0], [0], [1], [0, 0, 1, 1], [], []>, transpose_lhs_hint = false} : vector<1024x64xf32>, vector<64x64xf32>, vector<1024x64xf32> -> vector<1024x64xf32>
    %dot_general3A_14 = arith.constant dense<0.000000e+00> : vector<1024x64xf32>
    %dot_general3A_15 = tpu.matmul %div3A_5, %get3A_12, %dot_general3A_14 {dimension_numbers = #tpu.dot_dimension_numbers<[1], [0], [0], [1], [0, 0, 1, 1], [], []>, transpose_lhs_hint = false} : vector<1024x64xf32>, vector<64x64xf32>, vector<1024x64xf32> -> vector<1024x64xf32>
    %dot_general3A_16 = arith.constant dense<0.000000e+00> : vector<1024x64xf32>
    %dot_general3A_17 = tpu.matmul %roll3A_6, %get3A_9, %dot_general3A_16 {dimension_numbers = #tpu.dot_dimension_numbers<[1], [0], [0], [1], [0, 0, 1, 1], [], []>, transpose_lhs_hint = false} : vector<1024x64xf32>, vector<64x64xf32>, vector<1024x64xf32> -> vector<1024x64xf32>
    %dot_general3A_18 = arith.constant dense<0.000000e+00> : vector<1024x64xf32>
    %dot_general3A_19 = tpu.matmul %roll3A_6, %get3A_12, %dot_general3A_18 {dimension_numbers = #tpu.dot_dimension_numbers<[1], [0], [0], [1], [0, 0, 1, 1], [], []>, transpose_lhs_hint = false} : vector<1024x64xf32>, vector<64x64xf32>, vector<1024x64xf32> -> vector<1024x64xf32>
    %mul3A_20 = arith.mulf %dot_general3A_13, %dot_general3A_17 : vector<1024x64xf32>
    %mul3A_21 = arith.mulf %dot_general3A_15, %dot_general3A_19 : vector<1024x64xf32>
    %add3A_22 = arith.addf %mul3A_20, %mul3A_21 : vector<1024x64xf32>
    %mul3A_23 = arith.mulf %dot_general3A_15, %dot_general3A_17 : vector<1024x64xf32>
    %mul3A_24 = arith.mulf %dot_general3A_13, %dot_general3A_19 : vector<1024x64xf32>
    %sub3A = arith.subf %mul3A_23, %mul3A_24 : vector<1024x64xf32>
    %dot_general3A_25 = arith.constant dense<0.000000e+00> : vector<1024x64xf32>
    %dot_general3A_26 = tpu.matmul %add3A_22, %get3A_9, %dot_general3A_25 {dimension_numbers = #tpu.dot_dimension_numbers<[1], [0], [0], [1], [0, 0, 1, 1], [], []>, transpose_lhs_hint = false} : vector<1024x64xf32>, vector<64x64xf32>, vector<1024x64xf32> -> vector<1024x64xf32>
    %dot_general3A_27 = arith.constant dense<0.000000e+00> : vector<1024x64xf32>
    %dot_general3A_28 = tpu.matmul %sub3A, %get3A_12, %dot_general3A_27 {dimension_numbers = #tpu.dot_dimension_numbers<[1], [0], [0], [1], [0, 0, 1, 1], [], []>, transpose_lhs_hint = false} : vector<1024x64xf32>, vector<64x64xf32>, vector<1024x64xf32> -> vector<1024x64xf32>
    %sub3A_29 = arith.subf %dot_general3A_26, %dot_general3A_28 : vector<1024x64xf32>
    %mul3A_30 = arith.constant 1.562500e-02 : f32
    %mul3A_31 = vector.broadcast %mul3A_30 : f32 to vector<1024x64xf32>
    %mul3A_32 = arith.mulf %sub3A_29, %mul3A_31 : vector<1024x64xf32>
    %get3A_33 = arith.constant 0 : index
    %get3A_34 = arith.constant 0 : index
    %get3A_35 = vector.load %arg4[%get3A_33, %get3A_34] : memref<5x64xf32, #tpu.memory_space<vmem>>, vector<5x64xf32>
    %get3A_36 = arith.constant 0 : index
    %get3A_37 = arith.constant 0 : index
    %get3A_38 = vector.load %arg5[%get3A_36, %get3A_37] : memref<1x5xf32, #tpu.memory_space<vmem>>, vector<1x5xf32>
    %dot_general3A_39 = arith.constant dense<0.000000e+00> : vector<1024x5xf32>
    %dot_general3A_40 = tpu.matmul %div3A_5, %get3A_35, %dot_general3A_39 {dimension_numbers = #tpu.dot_dimension_numbers<[1], [1], [0], [0], [0, 0, 1, 0], [], []>, transpose_lhs_hint = false} : vector<1024x64xf32>, vector<5x64xf32>, vector<1024x5xf32> -> vector<1024x5xf32>
    %add3A_41 = vector.broadcast %get3A_38 : vector<1x5xf32> to vector<1024x5xf32>
    %add3A_42 = arith.addf %dot_general3A_40, %add3A_41 : vector<1024x5xf32>
    %reduce_max3A = arith.constant dense<0xFF800000> : vector<1024xf32>
    %reduce_max3A_43 = vector.multi_reduction <maximumf>, %add3A_42, %reduce_max3A [1] : vector<1024x5xf32> to vector<1024xf32>
    %broadcast_in_dim3A_44 = vector.shape_cast %reduce_max3A_43 : vector<1024xf32> to vector<1024x1xf32>
    %sub3A_45 = vector.broadcast %broadcast_in_dim3A_44 : vector<1024x1xf32> to vector<1024x5xf32>
    %sub3A_46 = arith.subf %add3A_42, %sub3A_45 : vector<1024x5xf32>
    %exp3A = math.exp %sub3A_46 : vector<1024x5xf32>
    %reduce_sum3A_47 = arith.constant dense<0.000000e+00> : vector<1024xf32>
    %reduce_sum3A_48 = vector.multi_reduction <add>, %exp3A, %reduce_sum3A_47 [1] : vector<1024x5xf32> to vector<1024xf32>
    %broadcast_in_dim3A_49 = vector.shape_cast %reduce_sum3A_48 : vector<1024xf32> to vector<1024x1xf32>
    %div3A_50 = vector.broadcast %broadcast_in_dim3A_49 : vector<1024x1xf32> to vector<1024x5xf32>
    %div3A_51 = arith.divf %exp3A, %div3A_50 : vector<1024x5xf32>
    %swap3A = arith.constant 0 : index
    %swap3A_52 = arith.constant 0 : index
    %swap3A_53 = vector.load %arg6[%swap3A, %swap3A_52] : memref<1024x5xf32, #tpu.memory_space<vmem>>, vector<1024x5xf32>
    tpu.vector_store %arg6[%swap3A, %swap3A_52], %div3A_51 {strides = array<i32>} : memref<1024x5xf32, #tpu.memory_space<vmem>>, vector<1024x5xf32>,
    %iota3A = tpu.iota {dimensions = array<i32: 0>} : vector<512x1024xi32>
    %iota3A_54 = tpu.iota {dimensions = array<i32: 1>} : vector<512x1024xi32>
    %mul3A_55 = arith.constant 2 : i32
    %mul3A_56 = vector.broadcast %mul3A_55 : i32 to vector<512x1024xi32>
    %mul3A_57 = arith.muli %mul3A_56, %iota3A : vector<512x1024xi32>
    %eq3A = arith.cmpi eq, %iota3A_54, %mul3A_57 : vector<512x1024xi32>
    %convert_element_type3A = arith.extui %eq3A : vector<512x1024xi1> to vector<512x1024xi32>
    %convert_element_type3A_58 = arith.sitofp %convert_element_type3A : vector<512x1024xi32> to vector<512x1024xf32>
    %dot_general3A_59 = arith.constant dense<0.000000e+00> : vector<512x64xf32>
    %dot_general3A_60 = tpu.matmul %convert_element_type3A_58, %mul3A_32, %dot_general3A_59 {dimension_numbers = #tpu.dot_dimension_numbers<[1], [0], [0], [1], [0, 0, 1, 1], [], []>, transpose_lhs_hint = false} : vector<512x1024xf32>, vector<1024x64xf32>, vector<512x64xf32> -> vector<512x64xf32>
    %dot_general3A_61 = arith.constant dense<0.000000e+00> : vector<512x5xf32>
    %dot_general3A_62 = tpu.matmul %dot_general3A_60, %get3A_35, %dot_general3A_61 {dimension_numbers = #tpu.dot_dimension_numbers<[1], [1], [0], [0], [0, 0, 1, 0], [], []>, transpose_lhs_hint = false} : vector<512x64xf32>, vector<5x64xf32>, vector<512x5xf32> -> vector<512x5xf32>
    %add3A_63 = vector.broadcast %get3A_38 : vector<1x5xf32> to vector<512x5xf32>
    %add3A_64 = arith.addf %dot_general3A_62, %add3A_63 : vector<512x5xf32>
    %reduce_max3A_65 = arith.constant dense<0xFF800000> : vector<512xf32>
    %reduce_max3A_66 = vector.multi_reduction <maximumf>, %add3A_64, %reduce_max3A_65 [1] : vector<512x5xf32> to vector<512xf32>
    %broadcast_in_dim3A_67 = vector.shape_cast %reduce_max3A_66 : vector<512xf32> to vector<512x1xf32>
    %sub3A_68 = vector.broadcast %broadcast_in_dim3A_67 : vector<512x1xf32> to vector<512x5xf32>
    %sub3A_69 = arith.subf %add3A_64, %sub3A_68 : vector<512x5xf32>
    %exp3A_70 = math.exp %sub3A_69 : vector<512x5xf32>
    %reduce_sum3A_71 = arith.constant dense<0.000000e+00> : vector<512xf32>
    %reduce_sum3A_72 = vector.multi_reduction <add>, %exp3A_70, %reduce_sum3A_71 [1] : vector<512x5xf32> to vector<512xf32>
    %broadcast_in_dim3A_73 = vector.shape_cast %reduce_sum3A_72 : vector<512xf32> to vector<512x1xf32>
    %div3A_74 = vector.broadcast %broadcast_in_dim3A_73 : vector<512x1xf32> to vector<512x5xf32>
    %div3A_75 = arith.divf %exp3A_70, %div3A_74 : vector<512x5xf32>
    %swap3A_76 = arith.constant 0 : index
    %swap3A_77 = arith.constant 0 : index
    %swap3A_78 = vector.load %arg7[%swap3A_76, %swap3A_77] : memref<512x5xf32, #tpu.memory_space<vmem>>, vector<512x5xf32>
    tpu.vector_store %arg7[%swap3A_76, %swap3A_77], %div3A_75 {strides = array<i32>} : memref<512x5xf32, #tpu.memory_space<vmem>>, vector<512x5xf32>,
    return
  }
  func.func @transform_0(%arg0: i32) -> (i32, i32) {
    %c0_i32 = arith.constant 0 : i32
    %c0_i32_0 = arith.constant 0 : i32
    return %arg0, %c0_i32 : i32, i32
  }
  func.func @transform_1(%arg0: i32) -> (i32, i32) {
    %c0_i32 = arith.constant 0 : i32
    %c0_i32_0 = arith.constant 0 : i32
    %c0_i32_1 = arith.constant 0 : i32
    return %c0_i32, %c0_i32_0 : i32, i32
  }
  func.func @transform_2(%arg0: i32) -> (i32, i32) {
    %c0_i32 = arith.constant 0 : i32
    %c0_i32_0 = arith.constant 0 : i32
    %c0_i32_1 = arith.constant 0 : i32
    return %c0_i32, %c0_i32_0 : i32, i32
  }
  func.func @transform_3(%arg0: i32) -> (i32, i32) {
    %c0_i32 = arith.constant 0 : i32
    %c0_i32_0 = arith.constant 0 : i32
    %c0_i32_1 = arith.constant 0 : i32
    return %c0_i32, %c0_i32_0 : i32, i32
  }
  func.func @transform_4(%arg0: i32) -> (i32, i32) {
    %c0_i32 = arith.constant 0 : i32
    %c0_i32_0 = arith.constant 0 : i32
    %c0_i32_1 = arith.constant 0 : i32
    return %c0_i32, %c0_i32_0 : i32, i32
  }
  func.func @transform_5(%arg0: i32) -> (i32, i32) {
    %c0_i32 = arith.constant 0 : i32
    %c0_i32_0 = arith.constant 0 : i32
    return %arg0, %c0_i32 : i32, i32
  }
  func.func @transform_6(%arg0: i32) -> (i32, i32) {
    %c0_i32 = arith.constant 0 : i32
    %c0_i32_0 = arith.constant 0 : i32
    return %arg0, %c0_i32 : i32, i32
  }
}

</mosaic_0001>

<sc_bundles>
// kernel: kernel.4.cloned.1.call-start
scs
__scs_entry_jumppad:
0x0: {  	(pc) =	sbr.rel $0x88, $3  }
0x1: {  	(tag) =	ssettag $0x0;
	lr =	simm.s32 $0x1  }
0x2: {  	[smem:$0x3F9D] =	sst lr;
	_ =	strace $0xD0000000  }
0x3: {  	_ = 	snop  }
0x4: {  	_ = 	snop  }
0x5: {  	_ = 	snop  }
0x6: {  	_ = 	snop  }
0x7: {  	_ = 	snop  }
__scs_overlays_trampoline_lowered:
0x8: {  	[smem:$0x3FAC] =	sst s0  }
0x9: {  	[smem:$0x3FAD] =	sst s1  }
0xa: {  	[smem:$0x3FAE] =	sst s2  }
0xb: {  	[smem:$0x3FAF] =	sst s3  }
0xc: {  	[smem:$0x3FB0] =	sst s4  }
0xd: {  	[smem:$0x3FB1] =	sst s5  }
0xe: {  	[smem:$0x3FB2] =	sst s6  }
0xf: {  	[smem:$0x3FB3] =	sst s7  }
0x10: {  	[smem:$0x3FB4] =	sst s8  }
0x11: {  	[smem:$0x3FB5] =	sst s9;
	s0 =	simm.s32 @!p0 $0x0  }
0x12: {  	s1 =	sld [smem:$0x3F9B];
	s0 =	simm.s32 @p0 $0x1  }
0x13: {  	[smem:$0x3FB6] =	sst s0;
	s0 =	simm.s32 @!p1 $0x0  }
0x14: {  	s2 =	sld [smem:$0x3F9A];
	s0 =	simm.s32 @p1 $0x1  }
0x15: {  	[smem:$0x3FB7] =	sst s0;
	s0 =	simm.s32 @!p2 $0x0  }
0x16: {  	s3 =	sld [smem:$0x3FDB];
	s0 =	simm.s32 @p2 $0x1  }
0x17: {  	s4 =	simm.s32 $0x1BF5;
	[smem:$0x3FB9] =	sst s0  }
0x18: {  	s0 =	sld [smem:$0x3F9C];
	_ =	swait.ge [sflag:s4], $0x0  }
0x19: {  	s7 =	sld [smem:$0x3F9D]  }
0x1a: {  	s8 =	sadd.s32 $0xFFFFE003, lr  }
0x1b: {  	s9 =	sadd.s32 $0xFFFFFEF7, lr;
	s5 =	simm.s32 $0xFFFFFFFF;
	p2 =	slt.u32 s8, $0xFFFFF086  }
0x1c: {  	p1 =	slt.u32 s9, $0xF7A;
	s5 =	simm.s32 @!p2 $0x0  }
0x1d: {  	s5 =	simm.s32 @p1 $0x1;
	p0 =	seq.s32 s7, s2  }
0x1e: {  	s7 =	smul.u32 @!p0 $0xF7A, s2;
	p2 =	seq.s32 @!p0 s5, $0x0  }
0x1f: {  	s9 =	smul.u32 $0xF7A, s1;
	s8 =	simm.s32 @!p0 $0x1BF5;
	p2 =	por !p2, p0  }
0x20: {  	[sflag:s8] =	ssyncset.s32 @!p0 $0xFFFFF086;
	s6 =	sadd.s32 @!p0 s3, s7;
	s7 =	simm.s32 @!p0 $0x108  }
0x21: {  	s3 =	sadd.s32 s3, s9;
	s6 =	sadd.s32 @!p0 $0x88, s6;
	s7 =	simm.s32 @p2 $0x1082  }
0x22: {  	[simem:s7], [sflag:s8] =	dma.local @!p0 [hbm:s6], $0xF7A  }
0x23: {  	s9 =	sor.u32 $0xD0000000, s2;
	s6 =	simm.s32 $0x108;
	_ =	swait.ge @!p0 [sflag:s8], $0x0  }
0x24: {  	s3 =	sadd.s32 $0x88, s3;
	s6 =	simm.s32 @!p1 $0x1082;
	[sflag:s4] =	ssyncset.s32 $0xFFFFF086  }
0x25: {  	[simem:s6], [sflag:s4] =	dma.local [hbm:s3], $0xF7A  }
0x26: {  	[smem:$0x3F9D] =	sst s1;
	(tag) =	ssettag s2;
	_ =	strace s9  }
0x27: {  	s1 =	sld [smem:$0x3FAD]  }
0x28: {  	s2 =	sld [smem:$0x3FAE]  }
0x29: {  	s4 =	sld [smem:$0x3FB0]  }
0x2a: {  	p0 =	seq.s32 s5, $0x0;
	s5 =	sld [smem:$0x3FB1]  }
0x2b: {  	s6 =	sld [smem:$0x3FB2]  }
0x2c: {  	s7 =	sld [smem:$0x3FB3]  }
0x2d: {  	s3 =	simm.s32 $0x108;
	s8 =	sld [smem:$0x3FB4]  }
0x2e: {  	s3 =	simm.s32 @!p0 $0x1082;
	s9 =	sld [smem:$0x3FB5]  }
0x2f: {  	lr =	sadd.s32 s0, s3;
	s0 =	sld [smem:$0x3FAC]  }
0x30: {  	s3 =	sld [smem:$0x3FAF]  }
0x31: {  	[smem:$0x3FB8] =	sst s10  }
0x32: {  	s10 =	sld [smem:$0x3FB6];
	_ =	sdelay $0x3  }
0x33: {  	p0 =	seq.s32 s10, $0x1;
	s10 =	sld [smem:$0x3FB8];
	_ =	sdelay $0x3  }
0x34: {  	[smem:$0x3FB8] =	sst s10  }
0x35: {  	s10 =	sld [smem:$0x3FB7];
	_ =	sdelay $0x3  }
0x36: {  	p1 =	seq.s32 s10, $0x1;
	s10 =	sld [smem:$0x3FB8];
	_ =	sdelay $0x3  }
0x37: {  	[smem:$0x3FB8] =	sst s10  }
0x38: {  	s10 =	sld [smem:$0x3FB9]  }
0x39: {  	_ = 	snop;
	(pc) =	sbr.ind lr, $3  }
0x3a: {  	_ = 	snop  }
0x3b: {  	_ = 	snop  }
0x3c: {  	p2 =	seq.s32 s10, $0x1;
	s10 =	sld [smem:$0x3FB8]  }
0x3d: {  	_ =	shalt  }
0x3e: {  	_ =	shalt  }
0x3f: {  	_ =	shalt  }
0x40: {  	_ =	shalt  }
0x41: {  	_ =	shalt  }
0x42: {  	_ =	shalt  }
0x43: {  	_ =	shalt  }
0x44: {  	_ =	shalt  }
0x45: {  	_ =	shalt  }
0x46: {  	_ =	shalt  }
0x47: {  	_ =	shalt  }
0x48: {  	_ =	shalt  }
0x49: {  	_ =	shalt  }
0x4a: {  	_ =	shalt  }
0x4b: {  	_ =	shalt  }
0x4c: {  	_ =	shalt  }
0x4d: {  	_ =	shalt  }
0x4e: {  	_ =	shalt  }
0x4f: {  	_ =	shalt  }
0x50: {  	_ =	shalt  }
0x51: {  	_ =	shalt  }
0x52: {  	_ =	shalt  }
0x53: {  	_ =	shalt  }
0x54: {  	_ =	shalt  }
0x55: {  	_ =	shalt  }
0x56: {  	_ =	shalt  }
0x57: {  	_ =	shalt  }
0x58: {  	_ =	shalt  }
0x59: {  	_ =	shalt  }
0x5a: {  	_ =	shalt  }
0x5b: {  	_ =	shalt  }
0x5c: {  	_ =	shalt  }
0x5d: {  	_ =	shalt  }
0x5e: {  	_ =	shalt  }
0x5f: {  	_ =	shalt  }
0x60: {  	_ =	shalt  }
0x61: {  	_ =	shalt  }
0x62: {  	_ =	shalt  }
0x63: {  	_ =	shalt  }
0x64: {  	_ =	shalt  }
0x65: {  	_ =	shalt  }
0x66: {  	_ =	shalt  }
0x67: {  	_ =	shalt  }
0x68: {  	_ =	shalt  }
0x69: {  	_ =	shalt  }
0x6a: {  	_ =	shalt  }
0x6b: {  	_ =	shalt  }
0x6c: {  	_ =	shalt  }
0x6d: {  	_ =	shalt  }
0x6e: {  	_ =	shalt  }
0x6f: {  	_ =	shalt  }
0x70: {  	_ =	shalt  }
0x71: {  	_ =	shalt  }
0x72: {  	_ =	shalt  }
0x73: {  	_ =	shalt  }
0x74: {  	_ =	shalt  }
0x75: {  	_ =	shalt  }
0x76: {  	_ =	shalt  }
0x77: {  	_ =	shalt  }
0x78: {  	_ =	shalt  }
0x79: {  	_ =	shalt  }
0x7a: {  	_ =	shalt  }
0x7b: {  	_ =	shalt  }
0x7c: {  	_ =	shalt  }
0x7d: {  	_ =	shalt  }
0x7e: {  	_ =	shalt  }
0x7f: {  	_ =	shalt  }
0x80: {  	_ =	shalt  }
0x81: {  	_ =	shalt  }
0x82: {  	_ =	shalt  }
0x83: {  	_ =	shalt  }
0x84: {  	_ =	shalt  }
0x85: {  	_ =	shalt  }
0x86: {  	_ =	shalt  }
0x87: {  	_ =	shalt  }
.Lfunc_end0:
.L_simem_size_0:
called_computation_lowered:
.L_overlay_start_0:
0x88: {  	s2 =	sld [smem:$0x3FD9]  }
0x89: {  	s3 =	sld [smem:$0x3FFE];
	_ =	sdelay $0x1  }
0x8a: {  	s1 =	srdreg.scid  }
0x8b: {  	s0 =	sand.u32 $0x1, s1  }
0x8c: {  	s17 =	sshll.u32 s0, $0xA;
	s2 =	sadd.s32 s3, s2  }
0x8d: {  	s2 =	sadd.s32 s2, s17  }
0x8e: {  	[smem:$0x3FC4] =	sst s2  }
0x8f: {  	_ = 	snop  }
0x90: {  	s2 =	sld [smem:$0x3FC9];
	(tm) =	ssettm $0x1  }
0x91: {  	s18 =	sld [smem:$0x3FFB];
	_ =	sdelay $0x3  }
0x92: {  	_ =	strace s18  }
0x93: {  	s3 =	sld [smem:$0x3FFC];
	_ =	sdelay $0x3  }
0x94: {  	_ =	strace s3  }
0x95: {  	s3 =	sld [smem:$0x3FFD];
	_ =	sdelay $0x3  }
0x96: {  	_ =	strace s3  }
0x97: {  	_ =	strace $0x8FFFFFFF  }
0x98: {  	s19 =	sld [smem:$0x3FDB];
	_ =	sdelay $0x1  }
0x99: {  	s4 =	simm.s32 $_scs_section_size  }
0x9a: {  	s5 =	simm.s32 $_size__tile_overlayer_lowered;
	s6 =	simm.s32 $_tile_overlayer_lowered  }
0x9b: {  	s22 =	simm.s32 $0x1BFF;
	s21 =	sshll.u32 s6, $0x1;
	s3 =	sadd.s32 s4, s19  }
0x9c: {  	s7 =	simm.s32 $0x0;
	s20 =	sshll.u32 s5, $0x1;
	s5 =	sadd.s32 s21, s3  }
0x9d: {  	[timem:s7], [sflag:s22] =	dma.local [hbm:s5], s20  }
0x9e: {  	_ =	swait.ge [sflag:s22], s20  }
0x9f: {  	s4 =	ssub.s32 $0x0, s20;
	[sflag:s22] =	ssyncset.done $0x0  }
0xa0: {  	[sflag:s22] =	ssyncadd.s32 s4;
	_ =	sdelay $0x1  }
0xa1: {  	s23 =	simm.s32 $0x1B8B  }
0xa2: {  	_ =	swait.ge [sflag:s23], $0x1  }
0xa3: {  	[sflag:s23] =	ssyncset.done $0x0  }
0xa4: {  	s25 =	simm.s32 $0x1B8E;
	s24 =	sld [smem:$0x3FFE];
	[sflag:s23] =	ssyncadd.s32 $0xFFFFFFFF  }
0xa5: {  	s26 =	simm.s32 $execute0_lowered;
	[smem:$0x3FD2] =	sst s25  }
0xa6: {  	s5 =	sshll.u32 s26, $0x1;
	_ =	strace $0x80000046;
	[dreg:$0x1] =	wrdreg $0xFFFFFFFF  }
0xa7: {  	s28 =	simm.s32 $_size_execute0_lowered;
	s3 =	sadd.s32 s3, s5;
	[dreg:$0x0] =	wrdreg $0x0  }
0xa8: {  	s5 =	sshll.u32 s28, $0x1;
	[dreg:$0x2] =	wrdreg s3  }
0xa9: {  	[dreg:$0x3] =	wrdreg s5  }
0xaa: {  	[dreg:$0x4] =	wrdreg $0xC0  }
0xab: {  	_ =	task [dreg:s7], $0x5FFFF  }
0xac: {  	[dreg:$0x1] =	wrdreg $0xFFFFFFFF  }
0xad: {  	[dreg:$0x0] =	wrdreg $0x60  }
0xae: {  	[dreg:$0x2] =	wrdreg s2  }
0xaf: {  	[dreg:$0x3] =	wrdreg s24  }
0xb0: {  	[dreg:$0x4] =	wrdreg $0x9  }
0xb1: {  	_ =	task.clear_ibuf [dreg:s7], $0x5FFFF;
	_ =	strace $0x90000046  }
0xb2: {  	s29 =	simm.s32 $0x9;
	_ =	strace $0x80000048  }
0xb3: {  	_ =	swait.ge [sflag:s29], $0x1  }
0xb4: {  	[sflag:s29] =	ssyncadd.s32 $0xFFFFFFFF  }
0xb5: {  	_ =	strace $0x90000048  }
0xb6: {  	_ =	sfence  }
0xb7: {  	s30 =	sld [smem:$0x0];
	_ =	sdelay $0x2  }
0xb8: {  	s31 =	sshll.u32 s1, $0xD;
	s1 =	sshrl.u32 s1, $0x2  }
0xb9: {  	s3 =	sand.u32 $0x4000, s31;
	s1 =	sadd.s32 s1, s30  }
0xba: {  	s0 =	sor.u32 s3, s0;
	s1 =	sshll.u32 s1, $0x11  }
0xbb: {  	s0 =	sor.u32 s1, s0  }
0xbc: {  	s0 =	sadd.s32 $0x8F2B, s0  }
0xbd: {  	[sflag:s0] =	ssyncadd.remote.s32 $0x1  }
0xbe: {  	_ =	sfence.sel $0xFFFF  }
0xbf: {  	[dreg:$0x0] =	wrdreg $0xFFFFFFFF;
	(pc) =	sbr.abs _section_cstart, $3  }
0xc0: {  	[dreg:$0x1] =	wrdreg $0xFFFFFFFF  }
0xc1: {  	_ =	task.clear_ibuf [dreg:s7], $0x2FFFF;
	_ =	strace $0x9FFFFFFF  }
0xc2: {  	(tm) =	ssettm $0x7FFFFFFF  }
0xc3: {  	_ =	shalt  }
tec
execute0_lowered:
.L_overlay_start_1:
0x0: {  	(tag) =	ssettag $0x1  }
0x1: {  	s0 =	rddreg [dreg:$0x0]  }
0x2: {  	s1 =	rddreg [dreg:$0x1];
	s2 =	simm.s32 $0x0  }
0x3: {  	s3 =	srdreg.scid;
	s5 =	stileid.u32;
	s8 =	simm.s32 $0x1  }
0x4: {  	vm0 =	vmmov $0x1;
	s10 =	simm.s32 $0x0;
	[smem:$0x7FF] =	sst s2;
	s4 =	sand.u32 $0x1, s3  }
0x5: {  	vm1 =	vcmask $0x308;
	vm2 =	vcmask $0x70C;
	vm3 =	vcmask $0xB10;
	s5 =	sshll.u32 s5, $0xA;
	s3 =	sadd.s32 $0x1000, s1;
	s6 =	sshll.u32 s4, $0x9  }
0x6: {  	vm4 =	vcmask $0xF14;
	vm5 =	vcmask $0x1318;
	vm6 =	vcmask $0x171C;
	_ =	strace $0x80000047;
	s4 =	ssub.s32 $0x2, s4;
	s5 =	sor.u32 s6, s5  }
0x7: {  	vm7 =	vcmask $0x1B20;
	vm8 =	vcmask $0x1F24;
	vm9 =	vcmask $0x2328;
	s7 =	sshrl.u32 s4, $0x1;
	s6 =	sshll.u32 s5, $0x4;
	s5 =	sshrl.u32 s5, $0x3  }
0x8: {  	vm10 =	vcmask $0x272C;
	vm11 =	vcmask $0x2B30;
	vm12 =	vcmask $0x2F34;
	s31 =	ssub.s32 s4, s7;
	s7 =	simm.s32 $0x2;
	s1 =	sadd.s32 s6, s1  }
0x9: {  	vm13 =	vcmask $0x3338;
	vm14 =	vcmask $0x373C;
	vm15 =	vmmov $0x7fff;
	s4 =	sadd.s32 s0, s5;
	s6 =	smax.u32 s31, $0x1;
	s5 =	sadd.s32 $0xF43400, s1  }
.LBB2_1:
0xa: {  	[tilespmem:s2], [sflag:$0x2] =	stream.linear.gather [hbm4b:s4+s2], $0x200, $0x38;
	[tilespmem:$0x10200] =	vst v63  }
0xb: {  	_ =	swait.ge [sflag:s7], $0x200  }
0xc: {  	[sflag:s7] =	ssyncset.done $0x0  }
0xd: {  	[sflag:s7] =	ssyncadd.s32 $0xFFFFFE00  }
0xe: {  	v0 =	vld [tilespmem:s2+$0x0];
	_ =	sdelay $0x4  }
0xf: {  	v1 =	vsel vm3, $0x0, v0  }
0x10: {  	v2 =	vnsel vm0, $0x0, v0;
	v1 =	vxor.u32 $0x80000000, v1  }
0x11: {  	v2 =	vxor.u32 $0x80000000, v2;
	(xrf0) =	vmax.scan.msk.u32 $0xffff, v1;
	v1 =	vsel vm7, $0x0, v0  }
0x12: {  	(xrf0) =	vmax.scan.msk.u32 $0xffff, v2;
	v2 =	vsel vm1, $0x0, v0;
	v1 =	vxor.u32 $0x80000000, v1  }
0x13: {  	v2 =	vxor.u32 $0x80000000, v2;
	(xrf0) =	vmax.scan.msk.u32 $0xffff, v1;
	v1 =	vsel vm6, $0x0, v0  }
0x14: {  	(xrf0) =	vmax.scan.msk.u32 $0xffff, v2;
	v2 =	vsel vm2, $0x0, v0;
	v1 =	vxor.u32 $0x80000000, v1  }
0x15: {  	v2 =	vxor.u32 $0x80000000, v2;
	_ =	sdelay $0x1  }
0x16: {  	(xrf0) =	vmax.scan.msk.u32 $0xffff, v1;
	v1, _, _ =	vpop (xrf0)  }
0x17: {  	(xrf0) =	vmax.scan.msk.u32 $0xffff, v2;
	v2, _, _ =	vpop (xrf0);
	(v2sf) =	vpush v1, $0xF  }
0x18: {  	(v2sf) =	vpush v2, $0xF;
	v1, _, _ =	vpop (xrf0)  }
0x19: {  	(v2sf) =	vpush v1, $0xF;
	_ =	sdelay $0x2  }
0x1a: {  	v1 =	vsel vm4, $0x0, v0  }
0x1b: {  	v2, _, _ =	vpop (xrf0);
	v1 =	vxor.u32 $0x80000000, v1  }
0x1c: {  	v3 =	vsel vm5, $0x0, v0;
	(v2sf) =	vpush v2, $0xF;
	v2, _, _ =	vpop (xrf0);
	(xrf0) =	vmax.scan.msk.u32 $0xffff, v1  }
0x1d: {  	(v2sf) =	vpush v2, $0xF;
	v2 =	vxor.u32 $0x80000000, v3;
	v3 =	vsel vm8, $0x0, v0  }
0x1e: {  	v1 =	vsel vm9, $0x0, v0;
	v3 =	vxor.u32 $0x80000000, v3;
	(xrf0) =	vmax.scan.msk.u32 $0xffff, v2  }
0x1f: {  	v1 =	vxor.u32 $0x80000000, v1;
	v2 =	vsel vm10, $0x0, v0;
	(xrf0) =	vmax.scan.msk.u32 $0xffff, v3  }
0x20: {  	v4, _, _ =	vpop (xrf0);
	v2 =	vxor.u32 $0x80000000, v2;
	v3 =	vsel vm11, $0x0, v0;
	(xrf0) =	vmax.scan.msk.u32 $0xffff, v1  }
0x21: {  	(v2sf) =	vpush v4, $0xF;
	v3 =	vxor.u32 $0x80000000, v3;
	(xrf0) =	vmax.scan.msk.u32 $0xffff, v2  }
0x22: {  	(xrf0) =	vmax.scan.msk.u32 $0xffff, v3;
	v3 =	vsel vm14, $0x0, v0;
	v4, _, _ =	vpop (xrf0)  }
0x23: {  	v1 =	vsel vm12, $0x0, v0;
	(v2sf) =	vpush v4, $0xF  }
0x24: {  	v1 =	vxor.u32 $0x80000000, v1;
	s1 =	spop (v2sf)  }
0x25: {  	(xrf0) =	vmax.scan.msk.u32 $0xffff, v1;
	v1 =	vxor.u32 $0x80000000, v3;
	v3, _, _ =	vpop (xrf0);
	s26 =	spop (v2sf)  }
0x26: {  	s12 =	simm.s32 $0x2000;
	s11 =	simm.s32 $0x0;
	v2 =	vsel vm13, $0x0, v0;
	s29 =	spop (v2sf);
	(v2sf) =	vpush v3, $0xF  }
0x27: {  	s17 =	simm.s32 $0x300;
	s14 =	simm.s32 $0x400;
	s0 =	simm.s32 $0x200;
	v2 =	vxor.u32 $0x80000000, v2  }
0x28: {  	s20 =	simm.s32 $0x280;
	s16 =	simm.s32 $0x480;
	s18 =	simm.s32 $0x500;
	v0 =	vsel vm15, $0x0, v0;
	(xrf0) =	vmax.scan.msk.u32 $0xffff, v2  }
0x29: {  	s23 =	simm.s32 $0x380;
	s15 =	simm.s32 $0x880;
	s13 =	simm.s32 $0x10;
	v0 =	vxor.u32 $0x80000000, v0;
	v5, _, _ =	vpop (xrf0);
	(xrf0) =	vmax.scan.msk.u32 $0xffff, v1  }
0x2a: {  	s22 =	simm.s32 $0x700;
	s21 =	simm.s32 $0x780;
	s19 =	simm.s32 $0x800;
	v6, _, _ =	vpop (xrf0);
	(xrf0) =	vmax.scan.msk.u32 $0xffff, v0;
	(v2sf) =	vpush v5, $0xF  }
0x2b: {  	s25 =	simm.s32 $0x600;
	s24 =	simm.s32 $0x680;
	v7, _, _ =	vpop (xrf0);
	s26 =	sshll.u32 s26, $0x4  }
0x2c: {  	s28 =	simm.s32 $0x580;
	s1 =	sshll.u32 s1, $0x4;
	v4, _, _ =	vpop (xrf0);
	s26 =	sand.u32 $0x1FFFFFF0, s26;
	(v2sf) =	vpush v6, $0xF  }
0x2d: {  	v3, _, _ =	vpop (xrf0);
	s30 =	sand.u32 $0x1FFFFFF0, s1;
	s9 =	spop (v2sf);
	s26 =	sadd.s32 s3, s26  }
0x2e: {  	v2, _, _ =	vpop (xrf0);
	[tilespmem:s0], [sflag:$0x1] =	stream.linear.gather [hbm4b:s26+s2], $0x80, $0x38;
	[tilespmem:$0x10200] =	vst v63  }
0x2f: {  	s29 =	sshll.u32 s29, $0x4;
	v1, _, _ =	vpop (xrf0);
	s9 =	sshll.u32 s9, $0x4;
	s26 =	spop (v2sf)  }
0x30: {  	v0, _, _ =	vpop (xrf0);
	s0 =	sand.u32 $0x1FFFFFF0, s9;
	(v2sf) =	vpush v7, $0xF;
	s31 =	sshll.u32 s26, $0x4;
	s1 =	spop (v2sf)  }
.LBB2_2:
0x31: {  	s0 =	sadd.s32 s3, s0  }
0x32: {  	s1 =	sshll.u32 s1, $0x4;
	s9 =	spop (v2sf);
	(v2sf) =	vpush v4, $0xF;
	s26 =	smov.u32 s12  }
0x33: {  	[tilespmem:s20], [sflag:$0x1] =	stream.linear.gather [hbm4b:s0+s2], $0x80, $0x38;
	[tilespmem:$0x10200] =	vst v63  }
0x34: {  	s0 =	sand.u32 $0x1FFFFFF0, s1;
	s1 =	sshll.u32 s9, $0x4;
	s9 =	sand.u32 $0x1FFFFFF0, s31  }
0x35: {  	s0 =	sadd.s32 s3, s0;
	s1 =	sand.u32 $0x1FFFFFF0, s1;
	s20 =	spop (v2sf)  }
0x36: {  	[tilespmem:s17], [sflag:$0x1] =	stream.linear.gather [hbm4b:s0+s2], $0x80, $0x38;
	(v2sf) =	vpush v3, $0xF;
	[tilespmem:$0x10200] =	vst v63  }
0x37: {  	s0 =	sadd.s32 s3, s30;
	s17 =	sshll.u32 s20, $0x4;
	s20 =	sand.u32 $0x1FFFFFF0, s29  }
0x38: {  	[tilespmem:s23], [sflag:$0x1] =	stream.linear.gather [hbm4b:s0+s2], $0x80, $0x38;
	(v2sf) =	vpush v2, $0xF;
	[tilespmem:$0x10200] =	vst v63  }
0x39: {  	s0 =	sadd.s32 s3, s1;
	s1 =	sand.u32 $0x1FFFFFF0, s17;
	s17 =	spop (v2sf)  }
0x3a: {  	[tilespmem:s14], [sflag:$0x1] =	stream.linear.gather [hbm4b:s0+s2], $0x80, $0x38;
	(v2sf) =	vpush v1, $0xF;
	[tilespmem:$0x10200] =	vst v63  }
0x3b: {  	s0 =	sadd.s32 s3, s1;
	s1 =	sshll.u32 s17, $0x4;
	s14 =	spop (v2sf)  }
0x3c: {  	[tilespmem:s16], [sflag:$0x1] =	stream.linear.gather [hbm4b:s0+s2], $0x80, $0x38;
	[tilespmem:$0x10200] =	vst v63  }
0x3d: {  	s1 =	sand.u32 $0x1FFFFFF0, s1;
	s0 =	sadd.s32 s3, s9;
	s9 =	sshll.u32 s14, $0x4;
	(v2sf) =	vpush v0, $0xF  }
0x3e: {  	[tilespmem:s18], [sflag:$0x1] =	stream.linear.gather [hbm4b:s0+s2], $0x80, $0x38;
	[tilespmem:$0x10200] =	vst v63  }
0x3f: {  	s9 =	sand.u32 $0x1FFFFFF0, s9;
	s0 =	sadd.s32 s3, s20;
	s14 =	spop (v2sf)  }
0x40: {  	[tilespmem:s28], [sflag:$0x1] =	stream.linear.gather [hbm4b:s0+s2], $0x80, $0x38;
	[tilespmem:$0x10200] =	vst v63  }
0x41: {  	s0 =	sadd.s32 s3, s1;
	s1 =	sshll.u32 s14, $0x4;
	s14 =	spop (v2sf)  }
0x42: {  	[tilespmem:s25], [sflag:$0x1] =	stream.linear.gather [hbm4b:s0+s2], $0x80, $0x38;
	[tilespmem:$0x10200] =	vst v63  }
0x43: {  	s1 =	sand.u32 $0x1FFFFFF0, s1;
	s0 =	sadd.s32 s3, s9;
	s9 =	sshll.u32 s14, $0x4  }
0x44: {  	[tilespmem:s24], [sflag:$0x1] =	stream.linear.gather [hbm4b:s0+s2], $0x80, $0x38;
	[tilespmem:$0x10200] =	vst v63  }
0x45: {  	s0 =	sadd.s32 s3, s1;
	s1 =	sand.u32 $0x1FFFFFF0, s9;
	s9 =	spop (v2sf)  }
0x46: {  	[tilespmem:s22], [sflag:$0x1] =	stream.linear.gather [hbm4b:s0+s2], $0x80, $0x38;
	[tilespmem:$0x10200] =	vst v63  }
0x47: {  	s0 =	sadd.s32 s3, s1;
	s1 =	sshll.u32 s9, $0x4;
	s9 =	spop (v2sf)  }
0x48: {  	[tilespmem:s21], [sflag:$0x1] =	stream.linear.gather [hbm4b:s0+s2], $0x80, $0x38;
	[tilespmem:$0x10200] =	vst v63  }
0x49: {  	s0 =	sand.u32 $0x1FFFFFF0, s1;
	s1 =	sshll.u32 s9, $0x4;
	s9 =	spop (v2sf)  }
0x4a: {  	s0 =	sadd.s32 s3, s0;
	s1 =	sand.u32 $0x1FFFFFF0, s1;
	s9 =	sshll.u32 s9, $0x4  }
0x4b: {  	[tilespmem:s19], [sflag:$0x1] =	stream.linear.gather [hbm4b:s0+s2], $0x80, $0x38;
	[tilespmem:$0x10200] =	vst v63  }
0x4c: {  	s0 =	sadd.s32 s3, s1;
	s1 =	sand.u32 $0x1FFFFFF0, s9;
	s9 =	spop (v2sf)  }
0x4d: {  	[tilespmem:s15], [sflag:$0x1] =	stream.linear.gather [hbm4b:s0+s2], $0x80, $0x38;
	[tilespmem:$0x10200] =	vst v63  }
0x4e: {  	s1 =	sadd.s32 s3, s1;
	s0 =	sadd.s32 $0x900, s11;
	s9 =	sshll.u32 s9, $0x4  }
0x4f: {  	[tilespmem:s0], [sflag:$0x1] =	stream.linear.gather [hbm4b:s1+s2], $0x80, $0x38;
	[tilespmem:$0x10200] =	vst v63  }
0x50: {  	p0 =	sne.s32 s12, $0x3E000;
	s12 =	sadd.s32 $0x2000, s12;
	s0 =	sand.u32 $0x1FFFFFF0, s9  }
0x51: {  	s1 =	sadd.s32 $0x980, s11;
	s0 =	sadd.s32 s3, s0  }
0x52: {  	[tilespmem:s1], [sflag:$0x1] =	stream.linear.gather [hbm4b:s0+s2], $0x80, $0x38;
	[tilespmem:$0x10200] =	vst v63  }
0x53: {  	_ = 	snop  }
0x54: {  	v0 =	vld [tilespmem:s13+$0x0];
	_ =	sdelay $0x2  }
0x55: {  	s11 =	sshra.s32 s26, $0x2  }
0x56: {  	s17 =	sadd.s32 $0x300, s11  }
0x57: {  	s14 =	sadd.s32 $0x400, s11;
	v1 =	vnsel vm0, $0x0, v0;
	v2 =	vsel vm3, $0x0, v0;
	v3 =	vsel vm14, $0x0, v0  }
0x58: {  	s26 =	sadd.s32 $0x200, s11;
	s20 =	sadd.s32 $0x280, s11;
	v4 =	vsel vm6, $0x0, v0;
	v5 =	vsel vm13, $0x0, v0;
	v2 =	vxor.u32 $0x80000000, v2  }
0x59: {  	v6 =	vsel vm7, $0x0, v0;
	v1 =	vxor.u32 $0x80000000, v1;
	v3 =	vxor.u32 $0x80000000, v3;
	(xrf0) =	vmax.scan.msk.u32 $0xffff, v2  }
0x5a: {  	s16 =	sadd.s32 $0x480, s11;
	v7 =	vsel vm2, $0x0, v0;
	v6 =	vxor.u32 $0x80000000, v6;
	v2 =	vsel vm1, $0x0, v0;
	(xrf0) =	vmax.scan.msk.u32 $0xffff, v1  }
0x5b: {  	v8 =	vsel vm5, $0x0, v0;
	v1 =	vxor.u32 $0x80000000, v2;
	v2 =	vsel vm4, $0x0, v0;
	(xrf0) =	vmax.scan.msk.u32 $0xffff, v6  }
0x5c: {  	v4 =	vxor.u32 $0x80000000, v4;
	v2 =	vxor.u32 $0x80000000, v2;
	v6 =	vxor.u32 $0x80000000, v8;
	(xrf0) =	vmax.scan.msk.u32 $0xffff, v1  }
0x5d: {  	v8 =	vsel vm9, $0x0, v0;
	v1 =	vxor.u32 $0x80000000, v7;
	v7 =	vsel vm8, $0x0, v0;
	(xrf0) =	vmax.scan.msk.u32 $0xffff, v4  }
0x5e: {  	v4 =	vxor.u32 $0x80000000, v7;
	v7 =	vxor.u32 $0x80000000, v8;
	v8 =	vsel vm10, $0x0, v0;
	(xrf0) =	vmax.scan.msk.u32 $0xffff, v1  }
0x5f: {  	s18 =	sadd.s32 $0x500, s11;
	v11 =	vsel vm12, $0x0, v0;
	v1 =	vxor.u32 $0x80000000, v8;
	v8 =	vsel vm11, $0x0, v0;
	v10, _, _ =	vpop (xrf0);
	(xrf0) =	vmax.scan.msk.u32 $0xffff, v2  }
0x60: {  	s23 =	sadd.s32 $0x380, s11;
	v2 =	vxor.u32 $0x80000000, v8;
	v8 =	vxor.u32 $0x80000000, v11;
	v9, _, _ =	vpop (xrf0);
	(v2sf) =	vpush v10, $0xF;
	(xrf0) =	vmax.scan.msk.u32 $0xffff, v6  }
0x61: {  	v5 =	vxor.u32 $0x80000000, v5;
	v0 =	vsel vm15, $0x0, v0;
	(v2sf) =	vpush v9, $0xF;
	v6, _, _ =	vpop (xrf0);
	(xrf0) =	vmax.scan.msk.u32 $0xffff, v4  }
0x62: {  	v0 =	vxor.u32 $0x80000000, v0;
	v4, _, _ =	vpop (xrf0);
	(v2sf) =	vpush v6, $0xF;
	(xrf0) =	vmax.scan.msk.u32 $0xffff, v7  }
0x63: {  	(v2sf) =	vpush v4, $0xF;
	v4, _, _ =	vpop (xrf0);
	(xrf0) =	vmax.scan.msk.u32 $0xffff, v1  }
0x64: {  	v1, _, _ =	vpop (xrf0);
	(v2sf) =	vpush v4, $0xF;
	(xrf0) =	vmax.scan.msk.u32 $0xffff, v2  }
0x65: {  	(v2sf) =	vpush v1, $0xF;
	v1, _, _ =	vpop (xrf0);
	(xrf0) =	vmax.scan.msk.u32 $0xffff, v8  }
0x66: {  	v2, _, _ =	vpop (xrf0);
	(xrf0) =	vmax.scan.msk.u32 $0xffff, v5  }
0x67: {  	(v2sf) =	vpush v1, $0xF;
	v5, _, _ =	vpop (xrf0);
	(xrf0) =	vmax.scan.msk.u32 $0xffff, v3  }
0x68: {  	v6, _, _ =	vpop (xrf0);
	(xrf0) =	vmax.scan.msk.u32 $0xffff, v0  }
0x69: {  	v7, _, _ =	vpop (xrf0)  }
0x6a: {  	(v2sf) =	vpush v2, $0xF;
	v4, _, _ =	vpop (xrf0)  }
0x6b: {  	v3, _, _ =	vpop (xrf0)  }
0x6c: {  	v2, _, _ =	vpop (xrf0)  }
0x6d: {  	s15 =	sadd.s32 $0x880, s11;
	s13 =	sadd.s32 $0x10, s13;
	v1, _, _ =	vpop (xrf0)  }
0x6e: {  	s22 =	sadd.s32 $0x700, s11;
	s21 =	sadd.s32 $0x780, s11;
	s19 =	sadd.s32 $0x800, s11;
	(v2sf) =	vpush v5, $0xF;
	v0, _, _ =	vpop (xrf0)  }
0x6f: {  	s25 =	sadd.s32 $0x600, s11;
	s24 =	sadd.s32 $0x680, s11;
	s0 =	spop (v2sf)  }
0x70: {  	s1 =	spop (v2sf)  }
0x71: {  	s28 =	sadd.s32 $0x580, s11;
	s0 =	sshll.u32 s0, $0x4;
	(v2sf) =	vpush v6, $0xF;
	s1 =	sshll.u32 s1, $0x4  }
.Ltmp0:
0x72: {  	s30 =	sand.u32 $0x1FFFFFF0, s0;
	s0 =	spop (v2sf);
	(pc) =	sbr.rel @p0 .LBB2_2-.Ltmp0, $4  }
0x73: {  	s1 =	sand.u32 $0x1FFFFFF0, s1;
	s29 =	sshll.u32 s0, $0x4;
	s0 =	spop (v2sf)  }
0x74: {  	s9 =	sadd.s32 s3, s1;
	s0 =	sshll.u32 s0, $0x4;
	s1 =	spop (v2sf)  }
0x75: {  	s0 =	sand.u32 $0x1FFFFFF0, s0;
	s31 =	sshll.u32 s1, $0x4;
	s1 =	spop (v2sf);
	(v2sf) =	vpush v7, $0xF  }
0x76: {  	[tilespmem:s26], [sflag:$0x1] =	stream.linear.gather [hbm4b:s9+s2], $0x80, $0x38;
	[tilespmem:$0x10200] =	vst v63  }
0x77: {  	s0 =	sadd.s32 s3, s0;
	s1 =	sshll.u32 s1, $0x4  }
0x78: {  	[tilespmem:s20], [sflag:$0x1] =	stream.linear.gather [hbm4b:s0+s2], $0x80, $0x38;
	[tilespmem:$0x10200] =	vst v63  }
0x79: {  	s0 =	sand.u32 $0x1FFFFFF0, s1  }
0x7a: {  	s12 =	spop (v2sf);
	s0 =	sadd.s32 s3, s0  }
0x7b: {  	[tilespmem:s17], [sflag:$0x1] =	stream.linear.gather [hbm4b:s0+s2], $0x80, $0x38;
	[tilespmem:$0x10200] =	vst v63  }
0x7c: {  	s0 =	sshll.u32 s12, $0x4  }
0x7d: {  	s9 =	sadd.s32 s3, s30;
	s0 =	sand.u32 $0x1FFFFFF0, s0  }
0x7e: {  	[tilespmem:s23], [sflag:$0x1] =	stream.linear.gather [hbm4b:s9+s2], $0x80, $0x38;
	[tilespmem:$0x10200] =	vst v63  }
0x7f: {  	s13 =	spop (v2sf);
	s0 =	sadd.s32 s3, s0  }
0x80: {  	[tilespmem:s14], [sflag:$0x1] =	stream.linear.gather [hbm4b:s0+s2], $0x80, $0x38;
	[tilespmem:$0x10200] =	vst v63  }
0x81: {  	s0 =	sshll.u32 s13, $0x4  }
0x82: {  	s0 =	sand.u32 $0x1FFFFFF0, s0  }
0x83: {  	s14 =	sand.u32 $0x1FFFFFF0, s31;
	s0 =	sadd.s32 s3, s0  }
0x84: {  	(v2sf) =	vpush v4, $0xF;
	[tilespmem:s16], [sflag:$0x1] =	stream.linear.gather [hbm4b:s0+s2], $0x80, $0x38;
	[tilespmem:$0x10200] =	vst v63  }
0x85: {  	s0 =	sadd.s32 s3, s14;
	s16 =	sand.u32 $0x1FFFFFF0, s29  }
0x86: {  	[tilespmem:s18], [sflag:$0x1] =	stream.linear.gather [hbm4b:s0+s2], $0x80, $0x38;
	[tilespmem:$0x10200] =	vst v63  }
0x87: {  	s17 =	spop (v2sf);
	s0 =	sadd.s32 s3, s16  }
0x88: {  	(v2sf) =	vpush v3, $0xF;
	[tilespmem:s28], [sflag:$0x1] =	stream.linear.gather [hbm4b:s0+s2], $0x80, $0x38;
	[tilespmem:$0x10200] =	vst v63  }
0x89: {  	s0 =	sshll.u32 s17, $0x4  }
0x8a: {  	s0 =	sand.u32 $0x1FFFFFF0, s0  }
0x8b: {  	s18 =	spop (v2sf);
	s0 =	sadd.s32 s3, s0  }
0x8c: {  	(v2sf) =	vpush v2, $0xF;
	[tilespmem:s25], [sflag:$0x1] =	stream.linear.gather [hbm4b:s0+s2], $0x80, $0x38;
	[tilespmem:$0x10200] =	vst v63  }
0x8d: {  	s0 =	sshll.u32 s18, $0x4  }
0x8e: {  	s0 =	sand.u32 $0x1FFFFFF0, s0  }
0x8f: {  	s20 =	spop (v2sf);
	s0 =	sadd.s32 s3, s0  }
0x90: {  	(v2sf) =	vpush v1, $0xF;
	[tilespmem:s24], [sflag:$0x1] =	stream.linear.gather [hbm4b:s0+s2], $0x80, $0x38;
	[tilespmem:$0x10200] =	vst v63  }
0x91: {  	s0 =	sshll.u32 s20, $0x4  }
0x92: {  	s0 =	sand.u32 $0x1FFFFFF0, s0  }
0x93: {  	s23 =	spop (v2sf);
	s0 =	sadd.s32 s3, s0  }
0x94: {  	(v2sf) =	vpush v0, $0xF;
	[tilespmem:s22], [sflag:$0x1] =	stream.linear.gather [hbm4b:s0+s2], $0x80, $0x38;
	[tilespmem:$0x10200] =	vst v63  }
0x95: {  	s0 =	sshll.u32 s23, $0x4  }
0x96: {  	s0 =	sand.u32 $0x1FFFFFF0, s0  }
0x97: {  	s24 =	spop (v2sf);
	s0 =	sadd.s32 s3, s0  }
0x98: {  	[tilespmem:s21], [sflag:$0x1] =	stream.linear.gather [hbm4b:s0+s2], $0x80, $0x38;
	[tilespmem:$0x10200] =	vst v63  }
0x99: {  	s0 =	sshll.u32 s24, $0x4  }
0x9a: {  	s0 =	sand.u32 $0x1FFFFFF0, s0  }
0x9b: {  	s25 =	spop (v2sf);
	s0 =	sadd.s32 s3, s0  }
0x9c: {  	[tilespmem:s19], [sflag:$0x1] =	stream.linear.gather [hbm4b:s0+s2], $0x80, $0x38;
	[tilespmem:$0x10200] =	vst v63  }
0x9d: {  	s0 =	sshll.u32 s25, $0x4  }
0x9e: {  	s0 =	sand.u32 $0x1FFFFFF0, s0  }
0x9f: {  	s26 =	spop (v2sf);
	s0 =	sadd.s32 s3, s0  }
0xa0: {  	[tilespmem:s15], [sflag:$0x1] =	stream.linear.gather [hbm4b:s0+s2], $0x80, $0x38;
	[tilespmem:$0x10200] =	vst v63  }
0xa1: {  	s0 =	sshll.u32 s26, $0x4  }
0xa2: {  	s0 =	sand.u32 $0x1FFFFFF0, s0  }
0xa3: {  	s28 =	sadd.s32 $0x900, s11;
	s29 =	spop (v2sf);
	s0 =	sadd.s32 s3, s0  }
0xa4: {  	[tilespmem:s28], [sflag:$0x1] =	stream.linear.gather [hbm4b:s0+s2], $0x80, $0x38;
	[tilespmem:$0x10200] =	vst v63  }
0xa5: {  	s0 =	sshll.u32 s29, $0x4  }
0xa6: {  	s0 =	sand.u32 $0x1FFFFFF0, s0  }
0xa7: {  	s30 =	sadd.s32 $0x980, s11;
	s0 =	sadd.s32 s3, s0  }
0xa8: {  	[tilespmem:s30], [sflag:$0x1] =	stream.linear.gather [hbm4b:s0+s2], $0x80, $0x38;
	[tilespmem:$0x10200] =	vst v63  }
0xa9: {  	s10 =	sadd.s32 $0x1, s10;
	_ =	swait.ge [sflag:s8], $0x10000  }
0xaa: {  	p0 =	sne.s32 s10, s6;
	[sflag:s8] =	ssyncset.done $0x0  }
.Ltmp1:
0xab: {  	s31 =	simm.s32 $0x200;
	[sflag:s8] =	ssyncadd.s32 $0xFFFF0000;
	(pc) =	sbr.rel @p0 .LBB2_1-.Ltmp1, $4  }
0xac: {  	[hbm4b:s5+s2] =	stream.linear.scatter [tilespmem:s31], [sflag:$0x2], $0x10000, $0x38;
	[tilespmem:$0x10200] =	vst v63  }
0xad: {  	_ =	swait.ge [sflag:s7], $0x10000  }
0xae: {  	[sflag:s7] =	ssyncset.done $0x0  }
0xaf: {  	[sflag:s7] =	ssyncadd.s32 $0xFFFF0000  }
0xb0: {  	_ =	sfence.sel $0x180000  }
0xb1: {  	[bflag:$0x0] =	sbarrier.arrive $0xFFFF  }
0xb2: {  	_ =	strace $0x90000047  }
0xb3: {  	s0 =	stileid.u32;
	[bflag:$0x2] =	sbarrier.arrive $0xFFFF  }
0xb4: {  	p0 =	sne.s32 s0, $0x0;
	s0 =	rddreg [dreg:$0x2]  }
0xb5: {  	s0 =	sadd.s32 @!p0 $0x100000, s0  }
0xb6: {  	[sflag:s0] =	ssyncadd.tile.s32 @!p0 $0x1;
	_ =	shalt  }
.Lfunc_end2:
_tile_overlayer_lowered:
.L_overlay_start_2:
0xb7: {  	(tag) =	ssettag $0x2  }
0xb8: {  	s0 =	rddreg [dreg:$0x0];
	s2 =	stileid.u32  }
0xb9: {  	s1 =	rddreg [dreg:$0x1];
	p0 =	sne.s32 s2, $0x0  }
0xba: {  	s3 =	rddreg [dreg:$0x2];
	[bflag:$0x3] =	sbarrier.arrive $0xFFFF;
	s2 =	simm.s32 @!p0 $0x1C02  }
0xbb: {  	[timem:s3], [sflag:s2] =	dma.local @!p0 [hbm:s0], s1  }
0xbc: {  	s0 =	simm.s32 @!p0 $0x2  }
0xbd: {  	_ =	swait.ge @!p0 [sflag:s0], s1  }
0xbe: {  	s1 =	ssub.s32 @!p0 $0x0, s1;
	[sflag:s0] =	ssyncset.done @!p0 $0x0  }
0xbf: {  	[sflag:s0] =	ssyncadd.s32 @!p0 s1  }
0xc0: {  	[bflag:$0x3] =	sbarrier.arrive $0xFFFF  }
0xc1: {  	_ =	shalt  }

</sc_bundles>
